<compile_context>
chip_gen: v7x
topology: tpu7x:2x2x1
jax: 0.10.2.dev20260603
libtpu: 0.0.44.dev20260713+nightly
codegen_flags: <defaults>
</compile_context>

<pallas_src>
import functools

import jax
import jax.numpy as jnp
from jax import lax
from jax.experimental import pallas as pl
from jax.experimental.pallas import tpu as pltpu
from jax.experimental.pallas import tpu_sc as plsc

_L = 16
_C = 128
_NW = 32
_R = 64
_CHUNK = _R * _C
_NB = 4


def _sc_permute(xf, indexes, n_rows):
    rows_per_w = n_rows // _NW
    n_chunks = rows_per_w // _R
    n_groups = n_chunks // _NB
    mesh = plsc.VectorSubcoreMesh(core_axis_name="c", subcore_axis_name="s")

    @functools.partial(
        pl.kernel,
        mesh=mesh,
        out_type=jax.ShapeDtypeStruct((n_rows * _C,), jnp.float32),
        scratch_types=(
            [pltpu.VMEM((_C,), jnp.int32)]
            + [pltpu.VMEM((_CHUNK,), jnp.float32) for _ in range(2 * _NB)]
            + [pltpu.SemaphoreType.DMA for _ in range(2 * _NB)]
        ),
        compiler_params=pltpu.CompilerParams(needs_layout_passes=False),
    )
    def k(x_hbm, idx_hbm, out_hbm, idx_v, *bufs_and_sems):
        ins = bufs_and_sems[:_NB]
        outs = bufs_and_sems[_NB:2 * _NB]
        lsems = bufs_and_sems[2 * _NB:3 * _NB]
        ssems = bufs_and_sems[3 * _NB:]
        wid = lax.axis_index("s") * 2 + lax.axis_index("c")
        base = wid * _CHUNK
        pltpu.sync_copy(idx_hbm, idx_v)
        idx_regs = [idx_v[pl.ds(g * _L, _L)] for g in range(_C // _L)]

        def start_load(ci, b):
            pltpu.async_copy(
                x_hbm.at[pl.ds(base + ci * (_NW * _CHUNK), _CHUNK)],
                ins[b], lsems[b])

        def start_store(ci, b):
            pltpu.async_copy(
                outs[b],
                out_hbm.at[pl.ds(base + ci * (_NW * _CHUNK), _CHUNK)],
                ssems[b])

        def wait_load(b):
            pltpu.make_async_copy(x_hbm.at[pl.ds(0, _CHUNK)], ins[b],
                                  lsems[b]).wait()

        def wait_store(b):
            pltpu.make_async_copy(outs[b], out_hbm.at[pl.ds(0, _CHUNK)],
                                  ssems[b]).wait()

        def permute_chunk(b):
            @plsc.parallel_loop(0, _R, unroll=8)
            def _(r):
                rb = r * _C
                src = ins[b].at[pl.ds(rb, _C)]
                for g in range(_C // _L):
                    outs[b][pl.ds(rb + g * _L, _L)] = plsc.load_gather(
                        src, [idx_regs[g]])

        for b in range(_NB):
            start_load(b, b)

        def group_body(i, _):
            c0 = _NB * i
            for b in range(_NB):
                wait_load(b)

                @pl.when(i > 0)
                def _():
                    wait_store(b)

                permute_chunk(b)
                start_store(c0 + b, b)

                @pl.when(i + 1 < n_groups)
                def _():
                    start_load(c0 + _NB + b, b)
            return 0

        lax.fori_loop(0, n_groups, group_body, 0)
        for b in range(_NB):
            wait_store(b)

    return k(xf, indexes)


def kernel(x, indexes):
    b, s, c = x.shape
    n_rows = b * s
    out = _sc_permute(x.reshape(n_rows * c), indexes, n_rows)
    return out.reshape(b, s, c)

# --- scband reference (transcript-rebuilt; emitter-appended) ---
"""Pipeline reference for scband-rearrange-output-55851754717755 (READ-ONLY COPY).

The authoritative reference and input builder live on the scoring server;
editing this copy changes nothing except your own understanding.
"""

import jax, jax.numpy as jnp
import numpy as np


def setup_inputs(seed: int = 0) -> dict:
    key = jax.random.key(seed)
    x = jax.random.normal(key, (32, 8192, 128), dtype=jnp.float32)
    # indexes buffer from __init__: a fixed permutation of the last dim (reversed arange)
    indexes = jnp.arange(127, -1, -1, dtype=jnp.int32)
    return {"x": x, "indexes": indexes}


def reference(x, indexes):
    # Faithful translation of RearrangeOutput.forward: gather along last dim
    return x[..., indexes]

if __name__ == "__main__":
    import jax
    _d = setup_inputs()
    print(jax.jit(kernel)(*tuple(_d.values())))

</pallas_src>

<mosaic_0001>
#map = affine_map<(d0, d1) -> (0)>
module attributes {stable_mosaic.version = 14 : i64} {
  func.func @k(%arg0: i32, %arg1: i32, %arg2: memref<33554432xf32, #tpu.memory_space<hbm>>, %arg3: memref<128xi32, #tpu.memory_space<hbm>>, %arg4: memref<33554432xf32, #tpu.memory_space<hbm>>, %arg5: memref<128xi32, #tpu.memory_space<vmem>>, %arg6: memref<8192xf32, #tpu.memory_space<vmem>>, %arg7: memref<8192xf32, #tpu.memory_space<vmem>>, %arg8: memref<8192xf32, #tpu.memory_space<vmem>>, %arg9: memref<8192xf32, #tpu.memory_space<vmem>>, %arg10: memref<8192xf32, #tpu.memory_space<vmem>>, %arg11: memref<8192xf32, #tpu.memory_space<vmem>>, %arg12: memref<8192xf32, #tpu.memory_space<vmem>>, %arg13: memref<8192xf32, #tpu.memory_space<vmem>>, %arg14: memref<!tpu.dma_semaphore, #tpu.memory_space<semaphore_mem>>, %arg15: memref<!tpu.dma_semaphore, #tpu.memory_space<semaphore_mem>>, %arg16: memref<!tpu.dma_semaphore, #tpu.memory_space<semaphore_mem>>, %arg17: memref<!tpu.dma_semaphore, #tpu.memory_space<semaphore_mem>>, %arg18: memref<!tpu.dma_semaphore, #tpu.memory_space<semaphore_mem>>, %arg19: memref<!tpu.dma_semaphore, #tpu.memory_space<semaphore_mem>>, %arg20: memref<!tpu.dma_semaphore, #tpu.memory_space<semaphore_mem>>, %arg21: memref<!tpu.dma_semaphore, #tpu.memory_space<semaphore_mem>>) attributes {dimension_semantics = [#tpu.dimension_semantics<core_parallel>, #tpu.dimension_semantics<subcore_parallel>], iteration_bounds = array<i64: 2, 16>, scalar_prefetch = 0 : i64, scratch_operands = 17 : i64, tpu.core_type = #tpu.core_type<sc_vector_subcore>, window_params = [{transform_indices = #map}, {transform_indices = #map}, {transform_indices = #map}]} {
    %mul3A = arith.constant 2 : i32
    %mul3A_0 = arith.muli %arg1, %mul3A : i32
    %add3A = arith.addi %mul3A_0, %arg0 : i32
    %mul3A_1 = arith.constant 8192 : i32
    %mul3A_2 = arith.muli %add3A, %mul3A_1 : i32
    "tpu.region"() ({
      %run_scoped3A = tpu.sem_alloc : memref<!tpu.dma_semaphore, #tpu.memory_space<semaphore_mem>>
      tpu.enqueue_dma source(%arg3 : memref<128xi32, #tpu.memory_space<hbm>>) target(%arg5 : memref<128xi32, #tpu.memory_space<vmem>>) target_semaphore(%run_scoped3A : memref<!tpu.dma_semaphore, #tpu.memory_space<semaphore_mem>>)
      tpu.wait_dma2 semaphore(%run_scoped3A : memref<!tpu.dma_semaphore, #tpu.memory_space<semaphore_mem>>) src(%arg3 : memref<128xi32, #tpu.memory_space<hbm>>) dst(%arg5 : memref<128xi32, #tpu.memory_space<vmem>>)
      tpu.yield
    }) : () -> ()
    %get3A = arith.constant 0 : index
    %get3A_3 = tpu.vector_load %arg5[%get3A] {strides = array<i32>} : memref<128xi32, #tpu.memory_space<vmem>>, vector<16xi32>,
    %get3A_4 = arith.constant 16 : index
    %get3A_5 = tpu.vector_load %arg5[%get3A_4] {strides = array<i32>} : memref<128xi32, #tpu.memory_space<vmem>>, vector<16xi32>,
    %get3A_6 = arith.constant 32 : index
    %get3A_7 = tpu.vector_load %arg5[%get3A_6] {strides = array<i32>} : memref<128xi32, #tpu.memory_space<vmem>>, vector<16xi32>,
    %get3A_8 = arith.constant 48 : index
    %get3A_9 = tpu.vector_load %arg5[%get3A_8] {strides = array<i32>} : memref<128xi32, #tpu.memory_space<vmem>>, vector<16xi32>,
    %get3A_10 = arith.constant 64 : index
    %get3A_11 = tpu.vector_load %arg5[%get3A_10] {strides = array<i32>} : memref<128xi32, #tpu.memory_space<vmem>>, vector<16xi32>,
    %get3A_12 = arith.constant 80 : index
    %get3A_13 = tpu.vector_load %arg5[%get3A_12] {strides = array<i32>} : memref<128xi32, #tpu.memory_space<vmem>>, vector<16xi32>,
    %get3A_14 = arith.constant 96 : index
    %get3A_15 = tpu.vector_load %arg5[%get3A_14] {strides = array<i32>} : memref<128xi32, #tpu.memory_space<vmem>>, vector<16xi32>,
    %get3A_16 = arith.constant 112 : index
    %get3A_17 = tpu.vector_load %arg5[%get3A_16] {strides = array<i32>} : memref<128xi32, #tpu.memory_space<vmem>>, vector<16xi32>,
    %add3A_18 = arith.constant 0 : i32
    %add3A_19 = arith.addi %mul3A_2, %add3A_18 : i32
    %dma_start3A = tpu.memref_slice %arg2[%add3A_19] : memref<33554432xf32, #tpu.memory_space<hbm>> -> memref<8192xf32, #tpu.memory_space<hbm>>
    %dma_start3A_20 = tpu.memref_slice %arg2[%add3A_19] : memref<33554432xf32, #tpu.memory_space<hbm>> -> memref<8192xf32, #tpu.memory_space<hbm>>
    tpu.enqueue_dma source(%dma_start3A_20 : memref<8192xf32, #tpu.memory_space<hbm>>) target(%arg6 : memref<8192xf32, #tpu.memory_space<vmem>>) target_semaphore(%arg14 : memref<!tpu.dma_semaphore, #tpu.memory_space<semaphore_mem>>)
    %add3A_21 = arith.constant 262144 : i32
    %add3A_22 = arith.addi %mul3A_2, %add3A_21 : i32
    %dma_start3A_23 = tpu.memref_slice %arg2[%add3A_22] : memref<33554432xf32, #tpu.memory_space<hbm>> -> memref<8192xf32, #tpu.memory_space<hbm>>
    %dma_start3A_24 = tpu.memref_slice %arg2[%add3A_22] : memref<33554432xf32, #tpu.memory_space<hbm>> -> memref<8192xf32, #tpu.memory_space<hbm>>
    tpu.enqueue_dma source(%dma_start3A_24 : memref<8192xf32, #tpu.memory_space<hbm>>) target(%arg7 : memref<8192xf32, #tpu.memory_space<vmem>>) target_semaphore(%arg15 : memref<!tpu.dma_semaphore, #tpu.memory_space<semaphore_mem>>)
    %add3A_25 = arith.constant 524288 : i32
    %add3A_26 = arith.addi %mul3A_2, %add3A_25 : i32
    %dma_start3A_27 = tpu.memref_slice %arg2[%add3A_26] : memref<33554432xf32, #tpu.memory_space<hbm>> -> memref<8192xf32, #tpu.memory_space<hbm>>
    %dma_start3A_28 = tpu.memref_slice %arg2[%add3A_26] : memref<33554432xf32, #tpu.memory_space<hbm>> -> memref<8192xf32, #tpu.memory_space<hbm>>
    tpu.enqueue_dma source(%dma_start3A_28 : memref<8192xf32, #tpu.memory_space<hbm>>) target(%arg8 : memref<8192xf32, #tpu.memory_space<vmem>>) target_semaphore(%arg16 : memref<!tpu.dma_semaphore, #tpu.memory_space<semaphore_mem>>)
    %add3A_29 = arith.constant 786432 : i32
    %add3A_30 = arith.addi %mul3A_2, %add3A_29 : i32
    %dma_start3A_31 = tpu.memref_slice %arg2[%add3A_30] : memref<33554432xf32, #tpu.memory_space<hbm>> -> memref<8192xf32, #tpu.memory_space<hbm>>
    %dma_start3A_32 = tpu.memref_slice %arg2[%add3A_30] : memref<33554432xf32, #tpu.memory_space<hbm>> -> memref<8192xf32, #tpu.memory_space<hbm>>
    tpu.enqueue_dma source(%dma_start3A_32 : memref<8192xf32, #tpu.memory_space<hbm>>) target(%arg9 : memref<8192xf32, #tpu.memory_space<vmem>>) target_semaphore(%arg17 : memref<!tpu.dma_semaphore, #tpu.memory_space<semaphore_mem>>)
    %scan3A = arith.constant 0 : i32
    %scan3A_33 = arith.constant 0 : i32
    %scan3A_34 = arith.constant 32 : i32
    %scan3A_35 = arith.addi %scan3A_33, %scan3A_34 : i32
    %scan3A_36 = arith.constant 1 : i32
    %scan3A_37 = scf.for %scan3A_54 = %scan3A_33 to %scan3A_35 step %scan3A_36 iter_args(%scan3A_55 = %scan3A) -> (i32)  : i32 {
      %mul3A_56 = arith.constant 4 : i32
      %mul3A_57 = arith.muli %mul3A_56, %scan3A_54 : i32
      %dma_wait3A_58 = arith.constant 0 : i32
      %dma_wait3A_59 = tpu.memref_slice %arg2[%dma_wait3A_58] : memref<33554432xf32, #tpu.memory_space<hbm>> -> memref<8192xf32, #tpu.memory_space<hbm>>
      %dma_wait3A_60 = arith.constant 0 : i32
      %dma_wait3A_61 = tpu.memref_slice %arg2[%dma_wait3A_60] : memref<33554432xf32, #tpu.memory_space<hbm>> -> memref<8192xf32, #tpu.memory_space<hbm>>
      tpu.wait_dma2 semaphore(%arg14 : memref<!tpu.dma_semaphore, #tpu.memory_space<semaphore_mem>>) src(%dma_wait3A_61 : memref<8192xf32, #tpu.memory_space<hbm>>) dst(%arg6 : memref<8192xf32, #tpu.memory_space<vmem>>)
      %gt3A = arith.constant 0 : i32
      %gt3A_62 = arith.cmpi sgt, %scan3A_54, %gt3A : i32
      %convert_element_type3A = arith.extui %gt3A_62 : i1 to i32
      %cond3A = arith.constant 0 : i32
      %cond3A_63 = arith.cmpi ne, %convert_element_type3A, %cond3A : i32
      scf.if %cond3A_63 {
        %dma_wait3A_158 = arith.constant 0 : i32
        %dma_wait3A_159 = tpu.memref_slice %arg4[%dma_wait3A_158] : memref<33554432xf32, #tpu.memory_space<hbm>> -> memref<8192xf32, #tpu.memory_space<hbm>>
        %dma_wait3A_160 = arith.constant 0 : i32
        %dma_wait3A_161 = tpu.memref_slice %arg4[%dma_wait3A_160] : memref<33554432xf32, #tpu.memory_space<hbm>> -> memref<8192xf32, #tpu.memory_space<hbm>>
        tpu.wait_dma2 semaphore(%arg18 : memref<!tpu.dma_semaphore, #tpu.memory_space<semaphore_mem>>) src(%arg10 : memref<8192xf32, #tpu.memory_space<vmem>>) dst(%dma_wait3A_161 : memref<8192xf32, #tpu.memory_space<hbm>>)
      } else {
      }
      %parallel_loop3A = arith.constant 0 : i32
      %parallel_loop3A_64 = arith.constant 64 : i32
      %parallel_loop3A_65 = arith.constant 1 : i32
      scf.for %parallel_loop3A_158 = %parallel_loop3A to %parallel_loop3A_64 step %parallel_loop3A_65  : i32 {
        %parallel_loop3A_159 = arith.constant 128 : i32
        %parallel_loop3A_160 = arith.muli %parallel_loop3A_158, %parallel_loop3A_159 : i32
        %parallel_loop3A_161 = tpu.memref_slice %arg6[%parallel_loop3A_160] : memref<8192xf32, #tpu.memory_space<vmem>> -> memref<128xf32, #tpu.memory_space<vmem>>
        %parallel_loop3A_162 = tpu.vector_load_idx %parallel_loop3A_161[%get3A_3] : memref<128xf32, #tpu.memory_space<vmem>>[vector<16xi32>], vector<16xf32>,
        %parallel_loop3A_163 = arith.constant 0 : i32
        %parallel_loop3A_164 = arith.addi %parallel_loop3A_160, %parallel_loop3A_163 : i32
        %parallel_loop3A_165 = arith.index_cast %parallel_loop3A_164 : i32 to index
        %parallel_loop3A_166 = tpu.vector_load %arg10[%parallel_loop3A_165] {strides = array<i32>} : memref<8192xf32, #tpu.memory_space<vmem>>, vector<16xf32>,
        tpu.vector_store %arg10[%parallel_loop3A_165], %parallel_loop3A_162 {strides = array<i32>} : memref<8192xf32, #tpu.memory_space<vmem>>, vector<16xf32>,
        %parallel_loop3A_167 = tpu.memref_slice %arg6[%parallel_loop3A_160] : memref<8192xf32, #tpu.memory_space<vmem>> -> memref<128xf32, #tpu.memory_space<vmem>>
        %parallel_loop3A_168 = tpu.vector_load_idx %parallel_loop3A_167[%get3A_5] : memref<128xf32, #tpu.memory_space<vmem>>[vector<16xi32>], vector<16xf32>,
        %parallel_loop3A_169 = arith.constant 16 : i32
        %parallel_loop3A_170 = arith.addi %parallel_loop3A_160, %parallel_loop3A_169 : i32
        %parallel_loop3A_171 = arith.index_cast %parallel_loop3A_170 : i32 to index
        %parallel_loop3A_172 = tpu.vector_load %arg10[%parallel_loop3A_171] {strides = array<i32>} : memref<8192xf32, #tpu.memory_space<vmem>>, vector<16xf32>,
        tpu.vector_store %arg10[%parallel_loop3A_171], %parallel_loop3A_168 {strides = array<i32>} : memref<8192xf32, #tpu.memory_space<vmem>>, vector<16xf32>,
        %parallel_loop3A_173 = tpu.memref_slice %arg6[%parallel_loop3A_160] : memref<8192xf32, #tpu.memory_space<vmem>> -> memref<128xf32, #tpu.memory_space<vmem>>
        %parallel_loop3A_174 = tpu.vector_load_idx %parallel_loop3A_173[%get3A_7] : memref<128xf32, #tpu.memory_space<vmem>>[vector<16xi32>], vector<16xf32>,
        %parallel_loop3A_175 = arith.constant 32 : i32
        %parallel_loop3A_176 = arith.addi %parallel_loop3A_160, %parallel_loop3A_175 : i32
        %parallel_loop3A_177 = arith.index_cast %parallel_loop3A_176 : i32 to index
        %parallel_loop3A_178 = tpu.vector_load %arg10[%parallel_loop3A_177] {strides = array<i32>} : memref<8192xf32, #tpu.memory_space<vmem>>, vector<16xf32>,
        tpu.vector_store %arg10[%parallel_loop3A_177], %parallel_loop3A_174 {strides = array<i32>} : memref<8192xf32, #tpu.memory_space<vmem>>, vector<16xf32>,
        %parallel_loop3A_179 = tpu.memref_slice %arg6[%parallel_loop3A_160] : memref<8192xf32, #tpu.memory_space<vmem>> -> memref<128xf32, #tpu.memory_space<vmem>>
        %parallel_loop3A_180 = tpu.vector_load_idx %parallel_loop3A_179[%get3A_9] : memref<128xf32, #tpu.memory_space<vmem>>[vector<16xi32>], vector<16xf32>,
        %parallel_loop3A_181 = arith.constant 48 : i32
        %parallel_loop3A_182 = arith.addi %parallel_loop3A_160, %parallel_loop3A_181 : i32
        %parallel_loop3A_183 = arith.index_cast %parallel_loop3A_182 : i32 to index
        %parallel_loop3A_184 = tpu.vector_load %arg10[%parallel_loop3A_183] {strides = array<i32>} : memref<8192xf32, #tpu.memory_space<vmem>>, vector<16xf32>,
        tpu.vector_store %arg10[%parallel_loop3A_183], %parallel_loop3A_180 {strides = array<i32>} : memref<8192xf32, #tpu.memory_space<vmem>>, vector<16xf32>,
        %parallel_loop3A_185 = tpu.memref_slice %arg6[%parallel_loop3A_160] : memref<8192xf32, #tpu.memory_space<vmem>> -> memref<128xf32, #tpu.memory_space<vmem>>
        %parallel_loop3A_186 = tpu.vector_load_idx %parallel_loop3A_185[%get3A_11] : memref<128xf32, #tpu.memory_space<vmem>>[vector<16xi32>], vector<16xf32>,
        %parallel_loop3A_187 = arith.constant 64 : i32
        %parallel_loop3A_188 = arith.addi %parallel_loop3A_160, %parallel_loop3A_187 : i32
        %parallel_loop3A_189 = arith.index_cast %parallel_loop3A_188 : i32 to index
        %parallel_loop3A_190 = tpu.vector_load %arg10[%parallel_loop3A_189] {strides = array<i32>} : memref<8192xf32, #tpu.memory_space<vmem>>, vector<16xf32>,
        tpu.vector_store %arg10[%parallel_loop3A_189], %parallel_loop3A_186 {strides = array<i32>} : memref<8192xf32, #tpu.memory_space<vmem>>, vector<16xf32>,
        %parallel_loop3A_191 = tpu.memref_slice %arg6[%parallel_loop3A_160] : memref<8192xf32, #tpu.memory_space<vmem>> -> memref<128xf32, #tpu.memory_space<vmem>>
        %parallel_loop3A_192 = tpu.vector_load_idx %parallel_loop3A_191[%get3A_13] : memref<128xf32, #tpu.memory_space<vmem>>[vector<16xi32>], vector<16xf32>,
        %parallel_loop3A_193 = arith.constant 80 : i32
        %parallel_loop3A_194 = arith.addi %parallel_loop3A_160, %parallel_loop3A_193 : i32
        %parallel_loop3A_195 = arith.index_cast %parallel_loop3A_194 : i32 to index
        %parallel_loop3A_196 = tpu.vector_load %arg10[%parallel_loop3A_195] {strides = array<i32>} : memref<8192xf32, #tpu.memory_space<vmem>>, vector<16xf32>,
        tpu.vector_store %arg10[%parallel_loop3A_195], %parallel_loop3A_192 {strides = array<i32>} : memref<8192xf32, #tpu.memory_space<vmem>>, vector<16xf32>,
        %parallel_loop3A_197 = tpu.memref_slice %arg6[%parallel_loop3A_160] : memref<8192xf32, #tpu.memory_space<vmem>> -> memref<128xf32, #tpu.memory_space<vmem>>
        %parallel_loop3A_198 = tpu.vector_load_idx %parallel_loop3A_197[%get3A_15] : memref<128xf32, #tpu.memory_space<vmem>>[vector<16xi32>], vector<16xf32>,
        %parallel_loop3A_199 = arith.constant 96 : i32
        %parallel_loop3A_200 = arith.addi %parallel_loop3A_160, %parallel_loop3A_199 : i32
        %parallel_loop3A_201 = arith.index_cast %parallel_loop3A_200 : i32 to index
        %parallel_loop3A_202 = tpu.vector_load %arg10[%parallel_loop3A_201] {strides = array<i32>} : memref<8192xf32, #tpu.memory_space<vmem>>, vector<16xf32>,
        tpu.vector_store %arg10[%parallel_loop3A_201], %parallel_loop3A_198 {strides = array<i32>} : memref<8192xf32, #tpu.memory_space<vmem>>, vector<16xf32>,
        %parallel_loop3A_203 = tpu.memref_slice %arg6[%parallel_loop3A_160] : memref<8192xf32, #tpu.memory_space<vmem>> -> memref<128xf32, #tpu.memory_space<vmem>>
        %parallel_loop3A_204 = tpu.vector_load_idx %parallel_loop3A_203[%get3A_17] : memref<128xf32, #tpu.memory_space<vmem>>[vector<16xi32>], vector<16xf32>,
        %parallel_loop3A_205 = arith.constant 112 : i32
        %parallel_loop3A_206 = arith.addi %parallel_loop3A_160, %parallel_loop3A_205 : i32
        %parallel_loop3A_207 = arith.index_cast %parallel_loop3A_206 : i32 to index
        %parallel_loop3A_208 = tpu.vector_load %arg10[%parallel_loop3A_207] {strides = array<i32>} : memref<8192xf32, #tpu.memory_space<vmem>>, vector<16xf32>,
        tpu.vector_store %arg10[%parallel_loop3A_207], %parallel_loop3A_204 {strides = array<i32>} : memref<8192xf32, #tpu.memory_space<vmem>>, vector<16xf32>,
      } {sc.loop_unroll_factor = 8 : i64, sc.parallel_access}
      %add3A_66 = arith.constant 0 : i32
      %add3A_67 = arith.addi %mul3A_57, %add3A_66 : i32
      %mul3A_68 = arith.constant 262144 : i32
      %mul3A_69 = arith.muli %add3A_67, %mul3A_68 : i32
      %add3A_70 = arith.addi %mul3A_2, %mul3A_69 : i32
      %dma_start3A_71 = tpu.memref_slice %arg4[%add3A_70] : memref<33554432xf32, #tpu.memory_space<hbm>> -> memref<8192xf32, #tpu.memory_space<hbm>>
      %dma_start3A_72 = tpu.memref_slice %arg4[%add3A_70] : memref<33554432xf32, #tpu.memory_space<hbm>> -> memref<8192xf32, #tpu.memory_space<hbm>>
      tpu.enqueue_dma source(%arg10 : memref<8192xf32, #tpu.memory_space<vmem>>) target(%dma_start3A_72 : memref<8192xf32, #tpu.memory_space<hbm>>) target_semaphore(%arg18 : memref<!tpu.dma_semaphore, #tpu.memory_space<semaphore_mem>>)
      %add3A_73 = arith.constant 1 : i32
      %add3A_74 = arith.addi %scan3A_54, %add3A_73 : i32
      %lt3A = arith.constant 32 : i32
      %lt3A_75 = arith.cmpi slt, %add3A_74, %lt3A : i32
      %convert_element_type3A_76 = arith.extui %lt3A_75 : i1 to i32
      %cond3A_77 = arith.constant 0 : i32
      %cond3A_78 = arith.cmpi ne, %convert_element_type3A_76, %cond3A_77 : i32
      scf.if %cond3A_78 {
        %add3A_158 = arith.constant 4 : i32
        %add3A_159 = arith.addi %mul3A_57, %add3A_158 : i32
        %add3A_160 = arith.constant 0 : i32
        %add3A_161 = arith.addi %add3A_159, %add3A_160 : i32
        %mul3A_162 = arith.constant 262144 : i32
        %mul3A_163 = arith.muli %add3A_161, %mul3A_162 : i32
        %add3A_164 = arith.addi %mul3A_2, %mul3A_163 : i32
        %dma_start3A_165 = tpu.memref_slice %arg2[%add3A_164] : memref<33554432xf32, #tpu.memory_space<hbm>> -> memref<8192xf32, #tpu.memory_space<hbm>>
        %dma_start3A_166 = tpu.memref_slice %arg2[%add3A_164] : memref<33554432xf32, #tpu.memory_space<hbm>> -> memref<8192xf32, #tpu.memory_space<hbm>>
        tpu.enqueue_dma source(%dma_start3A_166 : memref<8192xf32, #tpu.memory_space<hbm>>) target(%arg6 : memref<8192xf32, #tpu.memory_space<vmem>>) target_semaphore(%arg14 : memref<!tpu.dma_semaphore, #tpu.memory_space<semaphore_mem>>)
      } else {
      }
      %dma_wait3A_79 = arith.constant 0 : i32
      %dma_wait3A_80 = tpu.memref_slice %arg2[%dma_wait3A_79] : memref<33554432xf32, #tpu.memory_space<hbm>> -> memref<8192xf32, #tpu.memory_space<hbm>>
      %dma_wait3A_81 = arith.constant 0 : i32
      %dma_wait3A_82 = tpu.memref_slice %arg2[%dma_wait3A_81] : memref<33554432xf32, #tpu.memory_space<hbm>> -> memref<8192xf32, #tpu.memory_space<hbm>>
      tpu.wait_dma2 semaphore(%arg15 : memref<!tpu.dma_semaphore, #tpu.memory_space<semaphore_mem>>) src(%dma_wait3A_82 : memref<8192xf32, #tpu.memory_space<hbm>>) dst(%arg7 : memref<8192xf32, #tpu.memory_space<vmem>>)
      %gt3A_83 = arith.constant 0 : i32
      %gt3A_84 = arith.cmpi sgt, %scan3A_54, %gt3A_83 : i32
      %convert_element_type3A_85 = arith.extui %gt3A_84 : i1 to i32
      %cond3A_86 = arith.constant 0 : i32
      %cond3A_87 = arith.cmpi ne, %convert_element_type3A_85, %cond3A_86 : i32
      scf.if %cond3A_87 {
        %dma_wait3A_158 = arith.constant 0 : i32
        %dma_wait3A_159 = tpu.memref_slice %arg4[%dma_wait3A_158] : memref<33554432xf32, #tpu.memory_space<hbm>> -> memref<8192xf32, #tpu.memory_space<hbm>>
        %dma_wait3A_160 = arith.constant 0 : i32
        %dma_wait3A_161 = tpu.memref_slice %arg4[%dma_wait3A_160] : memref<33554432xf32, #tpu.memory_space<hbm>> -> memref<8192xf32, #tpu.memory_space<hbm>>
        tpu.wait_dma2 semaphore(%arg19 : memref<!tpu.dma_semaphore, #tpu.memory_space<semaphore_mem>>) src(%arg11 : memref<8192xf32, #tpu.memory_space<vmem>>) dst(%dma_wait3A_161 : memref<8192xf32, #tpu.memory_space<hbm>>)
      } else {
      }
      %parallel_loop3A_88 = arith.constant 0 : i32
      %parallel_loop3A_89 = arith.constant 64 : i32
      %parallel_loop3A_90 = arith.constant 1 : i32
      scf.for %parallel_loop3A_158 = %parallel_loop3A_88 to %parallel_loop3A_89 step %parallel_loop3A_90  : i32 {
        %parallel_loop3A_159 = arith.constant 128 : i32
        %parallel_loop3A_160 = arith.muli %parallel_loop3A_158, %parallel_loop3A_159 : i32
        %parallel_loop3A_161 = tpu.memref_slice %arg7[%parallel_loop3A_160] : memref<8192xf32, #tpu.memory_space<vmem>> -> memref<128xf32, #tpu.memory_space<vmem>>
        %parallel_loop3A_162 = tpu.vector_load_idx %parallel_loop3A_161[%get3A_3] : memref<128xf32, #tpu.memory_space<vmem>>[vector<16xi32>], vector<16xf32>,
        %parallel_loop3A_163 = arith.constant 0 : i32
        %parallel_loop3A_164 = arith.addi %parallel_loop3A_160, %parallel_loop3A_163 : i32
        %parallel_loop3A_165 = arith.index_cast %parallel_loop3A_164 : i32 to index
        %parallel_loop3A_166 = tpu.vector_load %arg11[%parallel_loop3A_165] {strides = array<i32>} : memref<8192xf32, #tpu.memory_space<vmem>>, vector<16xf32>,
        tpu.vector_store %arg11[%parallel_loop3A_165], %parallel_loop3A_162 {strides = array<i32>} : memref<8192xf32, #tpu.memory_space<vmem>>, vector<16xf32>,
        %parallel_loop3A_167 = tpu.memref_slice %arg7[%parallel_loop3A_160] : memref<8192xf32, #tpu.memory_space<vmem>> -> memref<128xf32, #tpu.memory_space<vmem>>
        %parallel_loop3A_168 = tpu.vector_load_idx %parallel_loop3A_167[%get3A_5] : memref<128xf32, #tpu.memory_space<vmem>>[vector<16xi32>], vector<16xf32>,
        %parallel_loop3A_169 = arith.constant 16 : i32
        %parallel_loop3A_170 = arith.addi %parallel_loop3A_160, %parallel_loop3A_169 : i32
        %parallel_loop3A_171 = arith.index_cast %parallel_loop3A_170 : i32 to index
        %parallel_loop3A_172 = tpu.vector_load %arg11[%parallel_loop3A_171] {strides = array<i32>} : memref<8192xf32, #tpu.memory_space<vmem>>, vector<16xf32>,
        tpu.vector_store %arg11[%parallel_loop3A_171], %parallel_loop3A_168 {strides = array<i32>} : memref<8192xf32, #tpu.memory_space<vmem>>, vector<16xf32>,
        %parallel_loop3A_173 = tpu.memref_slice %arg7[%parallel_loop3A_160] : memref<8192xf32, #tpu.memory_space<vmem>> -> memref<128xf32, #tpu.memory_space<vmem>>
        %parallel_loop3A_174 = tpu.vector_load_idx %parallel_loop3A_173[%get3A_7] : memref<128xf32, #tpu.memory_space<vmem>>[vector<16xi32>], vector<16xf32>,
        %parallel_loop3A_175 = arith.constant 32 : i32
        %parallel_loop3A_176 = arith.addi %parallel_loop3A_160, %parallel_loop3A_175 : i32
        %parallel_loop3A_177 = arith.index_cast %parallel_loop3A_176 : i32 to index
        %parallel_loop3A_178 = tpu.vector_load %arg11[%parallel_loop3A_177] {strides = array<i32>} : memref<8192xf32, #tpu.memory_space<vmem>>, vector<16xf32>,
        tpu.vector_store %arg11[%parallel_loop3A_177], %parallel_loop3A_174 {strides = array<i32>} : memref<8192xf32, #tpu.memory_space<vmem>>, vector<16xf32>,
        %parallel_loop3A_179 = tpu.memref_slice %arg7[%parallel_loop3A_160] : memref<8192xf32, #tpu.memory_space<vmem>> -> memref<128xf32, #tpu.memory_space<vmem>>
        %parallel_loop3A_180 = tpu.vector_load_idx %parallel_loop3A_179[%get3A_9] : memref<128xf32, #tpu.memory_space<vmem>>[vector<16xi32>], vector<16xf32>,
        %parallel_loop3A_181 = arith.constant 48 : i32
        %parallel_loop3A_182 = arith.addi %parallel_loop3A_160, %parallel_loop3A_181 : i32
        %parallel_loop3A_183 = arith.index_cast %parallel_loop3A_182 : i32 to index
        %parallel_loop3A_184 = tpu.vector_load %arg11[%parallel_loop3A_183] {strides = array<i32>} : memref<8192xf32, #tpu.memory_space<vmem>>, vector<16xf32>,
        tpu.vector_store %arg11[%parallel_loop3A_183], %parallel_loop3A_180 {strides = array<i32>} : memref<8192xf32, #tpu.memory_space<vmem>>, vector<16xf32>,
        %parallel_loop3A_185 = tpu.memref_slice %arg7[%parallel_loop3A_160] : memref<8192xf32, #tpu.memory_space<vmem>> -> memref<128xf32, #tpu.memory_space<vmem>>
        %parallel_loop3A_186 = tpu.vector_load_idx %parallel_loop3A_185[%get3A_11] : memref<128xf32, #tpu.memory_space<vmem>>[vector<16xi32>], vector<16xf32>,
        %parallel_loop3A_187 = arith.constant 64 : i32
        %parallel_loop3A_188 = arith.addi %parallel_loop3A_160, %parallel_loop3A_187 : i32
        %parallel_loop3A_189 = arith.index_cast %parallel_loop3A_188 : i32 to index
        %parallel_loop3A_190 = tpu.vector_load %arg11[%parallel_loop3A_189] {strides = array<i32>} : memref<8192xf32, #tpu.memory_space<vmem>>, vector<16xf32>,
        tpu.vector_store %arg11[%parallel_loop3A_189], %parallel_loop3A_186 {strides = array<i32>} : memref<8192xf32, #tpu.memory_space<vmem>>, vector<16xf32>,
        %parallel_loop3A_191 = tpu.memref_slice %arg7[%parallel_loop3A_160] : memref<8192xf32, #tpu.memory_space<vmem>> -> memref<128xf32, #tpu.memory_space<vmem>>
        %parallel_loop3A_192 = tpu.vector_load_idx %parallel_loop3A_191[%get3A_13] : memref<128xf32, #tpu.memory_space<vmem>>[vector<16xi32>], vector<16xf32>,
        %parallel_loop3A_193 = arith.constant 80 : i32
        %parallel_loop3A_194 = arith.addi %parallel_loop3A_160, %parallel_loop3A_193 : i32
        %parallel_loop3A_195 = arith.index_cast %parallel_loop3A_194 : i32 to index
        %parallel_loop3A_196 = tpu.vector_load %arg11[%parallel_loop3A_195] {strides = array<i32>} : memref<8192xf32, #tpu.memory_space<vmem>>, vector<16xf32>,
        tpu.vector_store %arg11[%parallel_loop3A_195], %parallel_loop3A_192 {strides = array<i32>} : memref<8192xf32, #tpu.memory_space<vmem>>, vector<16xf32>,
        %parallel_loop3A_197 = tpu.memref_slice %arg7[%parallel_loop3A_160] : memref<8192xf32, #tpu.memory_space<vmem>> -> memref<128xf32, #tpu.memory_space<vmem>>
        %parallel_loop3A_198 = tpu.vector_load_idx %parallel_loop3A_197[%get3A_15] : memref<128xf32, #tpu.memory_space<vmem>>[vector<16xi32>], vector<16xf32>,
        %parallel_loop3A_199 = arith.constant 96 : i32
        %parallel_loop3A_200 = arith.addi %parallel_loop3A_160, %parallel_loop3A_199 : i32
        %parallel_loop3A_201 = arith.index_cast %parallel_loop3A_200 : i32 to index
        %parallel_loop3A_202 = tpu.vector_load %arg11[%parallel_loop3A_201] {strides = array<i32>} : memref<8192xf32, #tpu.memory_space<vmem>>, vector<16xf32>,
        tpu.vector_store %arg11[%parallel_loop3A_201], %parallel_loop3A_198 {strides = array<i32>} : memref<8192xf32, #tpu.memory_space<vmem>>, vector<16xf32>,
        %parallel_loop3A_203 = tpu.memref_slice %arg7[%parallel_loop3A_160] : memref<8192xf32, #tpu.memory_space<vmem>> -> memref<128xf32, #tpu.memory_space<vmem>>
        %parallel_loop3A_204 = tpu.vector_load_idx %parallel_loop3A_203[%get3A_17] : memref<128xf32, #tpu.memory_space<vmem>>[vector<16xi32>], vector<16xf32>,
        %parallel_loop3A_205 = arith.constant 112 : i32
        %parallel_loop3A_206 = arith.addi %parallel_loop3A_160, %parallel_loop3A_205 : i32
        %parallel_loop3A_207 = arith.index_cast %parallel_loop3A_206 : i32 to index
        %parallel_loop3A_208 = tpu.vector_load %arg11[%parallel_loop3A_207] {strides = array<i32>} : memref<8192xf32, #tpu.memory_space<vmem>>, vector<16xf32>,
        tpu.vector_store %arg11[%parallel_loop3A_207], %parallel_loop3A_204 {strides = array<i32>} : memref<8192xf32, #tpu.memory_space<vmem>>, vector<16xf32>,
      } {sc.loop_unroll_factor = 8 : i64, sc.parallel_access}
      %add3A_91 = arith.constant 1 : i32
      %add3A_92 = arith.addi %mul3A_57, %add3A_91 : i32
      %mul3A_93 = arith.constant 262144 : i32
      %mul3A_94 = arith.muli %add3A_92, %mul3A_93 : i32
      %add3A_95 = arith.addi %mul3A_2, %mul3A_94 : i32
      %dma_start3A_96 = tpu.memref_slice %arg4[%add3A_95] : memref<33554432xf32, #tpu.memory_space<hbm>> -> memref<8192xf32, #tpu.memory_space<hbm>>
      %dma_start3A_97 = tpu.memref_slice %arg4[%add3A_95] : memref<33554432xf32, #tpu.memory_space<hbm>> -> memref<8192xf32, #tpu.memory_space<hbm>>
      tpu.enqueue_dma source(%arg11 : memref<8192xf32, #tpu.memory_space<vmem>>) target(%dma_start3A_97 : memref<8192xf32, #tpu.memory_space<hbm>>) target_semaphore(%arg19 : memref<!tpu.dma_semaphore, #tpu.memory_space<semaphore_mem>>)
      %add3A_98 = arith.constant 1 : i32
      %add3A_99 = arith.addi %scan3A_54, %add3A_98 : i32
      %lt3A_100 = arith.constant 32 : i32
      %lt3A_101 = arith.cmpi slt, %add3A_99, %lt3A_100 : i32
      %convert_element_type3A_102 = arith.extui %lt3A_101 : i1 to i32
      %cond3A_103 = arith.constant 0 : i32
      %cond3A_104 = arith.cmpi ne, %convert_element_type3A_102, %cond3A_103 : i32
      scf.if %cond3A_104 {
        %add3A_158 = arith.constant 4 : i32
        %add3A_159 = arith.addi %mul3A_57, %add3A_158 : i32
        %add3A_160 = arith.constant 1 : i32
        %add3A_161 = arith.addi %add3A_159, %add3A_160 : i32
        %mul3A_162 = arith.constant 262144 : i32
        %mul3A_163 = arith.muli %add3A_161, %mul3A_162 : i32
        %add3A_164 = arith.addi %mul3A_2, %mul3A_163 : i32
        %dma_start3A_165 = tpu.memref_slice %arg2[%add3A_164] : memref<33554432xf32, #tpu.memory_space<hbm>> -> memref<8192xf32, #tpu.memory_space<hbm>>
        %dma_start3A_166 = tpu.memref_slice %arg2[%add3A_164] : memref<33554432xf32, #tpu.memory_space<hbm>> -> memref<8192xf32, #tpu.memory_space<hbm>>
        tpu.enqueue_dma source(%dma_start3A_166 : memref<8192xf32, #tpu.memory_space<hbm>>) target(%arg7 : memref<8192xf32, #tpu.memory_space<vmem>>) target_semaphore(%arg15 : memref<!tpu.dma_semaphore, #tpu.memory_space<semaphore_mem>>)
      } else {
      }
      %dma_wait3A_105 = arith.constant 0 : i32
      %dma_wait3A_106 = tpu.memref_slice %arg2[%dma_wait3A_105] : memref<33554432xf32, #tpu.memory_space<hbm>> -> memref<8192xf32, #tpu.memory_space<hbm>>
      %dma_wait3A_107 = arith.constant 0 : i32
      %dma_wait3A_108 = tpu.memref_slice %arg2[%dma_wait3A_107] : memref<33554432xf32, #tpu.memory_space<hbm>> -> memref<8192xf32, #tpu.memory_space<hbm>>
      tpu.wait_dma2 semaphore(%arg16 : memref<!tpu.dma_semaphore, #tpu.memory_space<semaphore_mem>>) src(%dma_wait3A_108 : memref<8192xf32, #tpu.memory_space<hbm>>) dst(%arg8 : memref<8192xf32, #tpu.memory_space<vmem>>)
      %gt3A_109 = arith.constant 0 : i32
      %gt3A_110 = arith.cmpi sgt, %scan3A_54, %gt3A_109 : i32
      %convert_element_type3A_111 = arith.extui %gt3A_110 : i1 to i32
      %cond3A_112 = arith.constant 0 : i32
      %cond3A_113 = arith.cmpi ne, %convert_element_type3A_111, %cond3A_112 : i32
      scf.if %cond3A_113 {
        %dma_wait3A_158 = arith.constant 0 : i32
        %dma_wait3A_159 = tpu.memref_slice %arg4[%dma_wait3A_158] : memref<33554432xf32, #tpu.memory_space<hbm>> -> memref<8192xf32, #tpu.memory_space<hbm>>
        %dma_wait3A_160 = arith.constant 0 : i32
        %dma_wait3A_161 = tpu.memref_slice %arg4[%dma_wait3A_160] : memref<33554432xf32, #tpu.memory_space<hbm>> -> memref<8192xf32, #tpu.memory_space<hbm>>
        tpu.wait_dma2 semaphore(%arg20 : memref<!tpu.dma_semaphore, #tpu.memory_space<semaphore_mem>>) src(%arg12 : memref<8192xf32, #tpu.memory_space<vmem>>) dst(%dma_wait3A_161 : memref<8192xf32, #tpu.memory_space<hbm>>)
      } else {
      }
      %parallel_loop3A_114 = arith.constant 0 : i32
      %parallel_loop3A_115 = arith.constant 64 : i32
      %parallel_loop3A_116 = arith.constant 1 : i32
      scf.for %parallel_loop3A_158 = %parallel_loop3A_114 to %parallel_loop3A_115 step %parallel_loop3A_116  : i32 {
        %parallel_loop3A_159 = arith.constant 128 : i32
        %parallel_loop3A_160 = arith.muli %parallel_loop3A_158, %parallel_loop3A_159 : i32
        %parallel_loop3A_161 = tpu.memref_slice %arg8[%parallel_loop3A_160] : memref<8192xf32, #tpu.memory_space<vmem>> -> memref<128xf32, #tpu.memory_space<vmem>>
        %parallel_loop3A_162 = tpu.vector_load_idx %parallel_loop3A_161[%get3A_3] : memref<128xf32, #tpu.memory_space<vmem>>[vector<16xi32>], vector<16xf32>,
        %parallel_loop3A_163 = arith.constant 0 : i32
        %parallel_loop3A_164 = arith.addi %parallel_loop3A_160, %parallel_loop3A_163 : i32
        %parallel_loop3A_165 = arith.index_cast %parallel_loop3A_164 : i32 to index
        %parallel_loop3A_166 = tpu.vector_load %arg12[%parallel_loop3A_165] {strides = array<i32>} : memref<8192xf32, #tpu.memory_space<vmem>>, vector<16xf32>,
        tpu.vector_store %arg12[%parallel_loop3A_165], %parallel_loop3A_162 {strides = array<i32>} : memref<8192xf32, #tpu.memory_space<vmem>>, vector<16xf32>,
        %parallel_loop3A_167 = tpu.memref_slice %arg8[%parallel_loop3A_160] : memref<8192xf32, #tpu.memory_space<vmem>> -> memref<128xf32, #tpu.memory_space<vmem>>
        %parallel_loop3A_168 = tpu.vector_load_idx %parallel_loop3A_167[%get3A_5] : memref<128xf32, #tpu.memory_space<vmem>>[vector<16xi32>], vector<16xf32>,
        %parallel_loop3A_169 = arith.constant 16 : i32
        %parallel_loop3A_170 = arith.addi %parallel_loop3A_160, %parallel_loop3A_169 : i32
        %parallel_loop3A_171 = arith.index_cast %parallel_loop3A_170 : i32 to index
        %parallel_loop3A_172 = tpu.vector_load %arg12[%parallel_loop3A_171] {strides = array<i32>} : memref<8192xf32, #tpu.memory_space<vmem>>, vector<16xf32>,
        tpu.vector_store %arg12[%parallel_loop3A_171], %parallel_loop3A_168 {strides = array<i32>} : memref<8192xf32, #tpu.memory_space<vmem>>, vector<16xf32>,
        %parallel_loop3A_173 = tpu.memref_slice %arg8[%parallel_loop3A_160] : memref<8192xf32, #tpu.memory_space<vmem>> -> memref<128xf32, #tpu.memory_space<vmem>>
        %parallel_loop3A_174 = tpu.vector_load_idx %parallel_loop3A_173[%get3A_7] : memref<128xf32, #tpu.memory_space<vmem>>[vector<16xi32>], vector<16xf32>,
        %parallel_loop3A_175 = arith.constant 32 : i32
        %parallel_loop3A_176 = arith.addi %parallel_loop3A_160, %parallel_loop3A_175 : i32
        %parallel_loop3A_177 = arith.index_cast %parallel_loop3A_176 : i32 to index
        %parallel_loop3A_178 = tpu.vector_load %arg12[%parallel_loop3A_177] {strides = array<i32>} : memref<8192xf32, #tpu.memory_space<vmem>>, vector<16xf32>,
        tpu.vector_store %arg12[%parallel_loop3A_177], %parallel_loop3A_174 {strides = array<i32>} : memref<8192xf32, #tpu.memory_space<vmem>>, vector<16xf32>,
        %parallel_loop3A_179 = tpu.memref_slice %arg8[%parallel_loop3A_160] : memref<8192xf32, #tpu.memory_space<vmem>> -> memref<128xf32, #tpu.memory_space<vmem>>
        %parallel_loop3A_180 = tpu.vector_load_idx %parallel_loop3A_179[%get3A_9] : memref<128xf32, #tpu.memory_space<vmem>>[vector<16xi32>], vector<16xf32>,
        %parallel_loop3A_181 = arith.constant 48 : i32
        %parallel_loop3A_182 = arith.addi %parallel_loop3A_160, %parallel_loop3A_181 : i32
        %parallel_loop3A_183 = arith.index_cast %parallel_loop3A_182 : i32 to index
        %parallel_loop3A_184 = tpu.vector_load %arg12[%parallel_loop3A_183] {strides = array<i32>} : memref<8192xf32, #tpu.memory_space<vmem>>, vector<16xf32>,
        tpu.vector_store %arg12[%parallel_loop3A_183], %parallel_loop3A_180 {strides = array<i32>} : memref<8192xf32, #tpu.memory_space<vmem>>, vector<16xf32>,
        %parallel_loop3A_185 = tpu.memref_slice %arg8[%parallel_loop3A_160] : memref<8192xf32, #tpu.memory_space<vmem>> -> memref<128xf32, #tpu.memory_space<vmem>>
        %parallel_loop3A_186 = tpu.vector_load_idx %parallel_loop3A_185[%get3A_11] : memref<128xf32, #tpu.memory_space<vmem>>[vector<16xi32>], vector<16xf32>,
        %parallel_loop3A_187 = arith.constant 64 : i32
        %parallel_loop3A_188 = arith.addi %parallel_loop3A_160, %parallel_loop3A_187 : i32
        %parallel_loop3A_189 = arith.index_cast %parallel_loop3A_188 : i32 to index
        %parallel_loop3A_190 = tpu.vector_load %arg12[%parallel_loop3A_189] {strides = array<i32>} : memref<8192xf32, #tpu.memory_space<vmem>>, vector<16xf32>,
        tpu.vector_store %arg12[%parallel_loop3A_189], %parallel_loop3A_186 {strides = array<i32>} : memref<8192xf32, #tpu.memory_space<vmem>>, vector<16xf32>,
        %parallel_loop3A_191 = tpu.memref_slice %arg8[%parallel_loop3A_160] : memref<8192xf32, #tpu.memory_space<vmem>> -> memref<128xf32, #tpu.memory_space<vmem>>
        %parallel_loop3A_192 = tpu.vector_load_idx %parallel_loop3A_191[%get3A_13] : memref<128xf32, #tpu.memory_space<vmem>>[vector<16xi32>], vector<16xf32>,
        %parallel_loop3A_193 = arith.constant 80 : i32
        %parallel_loop3A_194 = arith.addi %parallel_loop3A_160, %parallel_loop3A_193 : i32
        %parallel_loop3A_195 = arith.index_cast %parallel_loop3A_194 : i32 to index
        %parallel_loop3A_196 = tpu.vector_load %arg12[%parallel_loop3A_195] {strides = array<i32>} : memref<8192xf32, #tpu.memory_space<vmem>>, vector<16xf32>,
        tpu.vector_store %arg12[%parallel_loop3A_195], %parallel_loop3A_192 {strides = array<i32>} : memref<8192xf32, #tpu.memory_space<vmem>>, vector<16xf32>,
        %parallel_loop3A_197 = tpu.memref_slice %arg8[%parallel_loop3A_160] : memref<8192xf32, #tpu.memory_space<vmem>> -> memref<128xf32, #tpu.memory_space<vmem>>
        %parallel_loop3A_198 = tpu.vector_load_idx %parallel_loop3A_197[%get3A_15] : memref<128xf32, #tpu.memory_space<vmem>>[vector<16xi32>], vector<16xf32>,
        %parallel_loop3A_199 = arith.constant 96 : i32
        %parallel_loop3A_200 = arith.addi %parallel_loop3A_160, %parallel_loop3A_199 : i32
        %parallel_loop3A_201 = arith.index_cast %parallel_loop3A_200 : i32 to index
        %parallel_loop3A_202 = tpu.vector_load %arg12[%parallel_loop3A_201] {strides = array<i32>} : memref<8192xf32, #tpu.memory_space<vmem>>, vector<16xf32>,
        tpu.vector_store %arg12[%parallel_loop3A_201], %parallel_loop3A_198 {strides = array<i32>} : memref<8192xf32, #tpu.memory_space<vmem>>, vector<16xf32>,
        %parallel_loop3A_203 = tpu.memref_slice %arg8[%parallel_loop3A_160] : memref<8192xf32, #tpu.memory_space<vmem>> -> memref<128xf32, #tpu.memory_space<vmem>>
        %parallel_loop3A_204 = tpu.vector_load_idx %parallel_loop3A_203[%get3A_17] : memref<128xf32, #tpu.memory_space<vmem>>[vector<16xi32>], vector<16xf32>,
        %parallel_loop3A_205 = arith.constant 112 : i32
        %parallel_loop3A_206 = arith.addi %parallel_loop3A_160, %parallel_loop3A_205 : i32
        %parallel_loop3A_207 = arith.index_cast %parallel_loop3A_206 : i32 to index
        %parallel_loop3A_208 = tpu.vector_load %arg12[%parallel_loop3A_207] {strides = array<i32>} : memref<8192xf32, #tpu.memory_space<vmem>>, vector<16xf32>,
        tpu.vector_store %arg12[%parallel_loop3A_207], %parallel_loop3A_204 {strides = array<i32>} : memref<8192xf32, #tpu.memory_space<vmem>>, vector<16xf32>,
      } {sc.loop_unroll_factor = 8 : i64, sc.parallel_access}
      %add3A_117 = arith.constant 2 : i32
      %add3A_118 = arith.addi %mul3A_57, %add3A_117 : i32
      %mul3A_119 = arith.constant 262144 : i32
      %mul3A_120 = arith.muli %add3A_118, %mul3A_119 : i32
      %add3A_121 = arith.addi %mul3A_2, %mul3A_120 : i32
      %dma_start3A_122 = tpu.memref_slice %arg4[%add3A_121] : memref<33554432xf32, #tpu.memory_space<hbm>> -> memref<8192xf32, #tpu.memory_space<hbm>>
      %dma_start3A_123 = tpu.memref_slice %arg4[%add3A_121] : memref<33554432xf32, #tpu.memory_space<hbm>> -> memref<8192xf32, #tpu.memory_space<hbm>>
      tpu.enqueue_dma source(%arg12 : memref<8192xf32, #tpu.memory_space<vmem>>) target(%dma_start3A_123 : memref<8192xf32, #tpu.memory_space<hbm>>) target_semaphore(%arg20 : memref<!tpu.dma_semaphore, #tpu.memory_space<semaphore_mem>>)
      %add3A_124 = arith.constant 1 : i32
      %add3A_125 = arith.addi %scan3A_54, %add3A_124 : i32
      %lt3A_126 = arith.constant 32 : i32
      %lt3A_127 = arith.cmpi slt, %add3A_125, %lt3A_126 : i32
      %convert_element_type3A_128 = arith.extui %lt3A_127 : i1 to i32
      %cond3A_129 = arith.constant 0 : i32
      %cond3A_130 = arith.cmpi ne, %convert_element_type3A_128, %cond3A_129 : i32
      scf.if %cond3A_130 {
        %add3A_158 = arith.constant 4 : i32
        %add3A_159 = arith.addi %mul3A_57, %add3A_158 : i32
        %add3A_160 = arith.constant 2 : i32
        %add3A_161 = arith.addi %add3A_159, %add3A_160 : i32
        %mul3A_162 = arith.constant 262144 : i32
        %mul3A_163 = arith.muli %add3A_161, %mul3A_162 : i32
        %add3A_164 = arith.addi %mul3A_2, %mul3A_163 : i32
        %dma_start3A_165 = tpu.memref_slice %arg2[%add3A_164] : memref<33554432xf32, #tpu.memory_space<hbm>> -> memref<8192xf32, #tpu.memory_space<hbm>>
        %dma_start3A_166 = tpu.memref_slice %arg2[%add3A_164] : memref<33554432xf32, #tpu.memory_space<hbm>> -> memref<8192xf32, #tpu.memory_space<hbm>>
        tpu.enqueue_dma source(%dma_start3A_166 : memref<8192xf32, #tpu.memory_space<hbm>>) target(%arg8 : memref<8192xf32, #tpu.memory_space<vmem>>) target_semaphore(%arg16 : memref<!tpu.dma_semaphore, #tpu.memory_space<semaphore_mem>>)
      } else {
      }
      %dma_wait3A_131 = arith.constant 0 : i32
      %dma_wait3A_132 = tpu.memref_slice %arg2[%dma_wait3A_131] : memref<33554432xf32, #tpu.memory_space<hbm>> -> memref<8192xf32, #tpu.memory_space<hbm>>
      %dma_wait3A_133 = arith.constant 0 : i32
      %dma_wait3A_134 = tpu.memref_slice %arg2[%dma_wait3A_133] : memref<33554432xf32, #tpu.memory_space<hbm>> -> memref<8192xf32, #tpu.memory_space<hbm>>
      tpu.wait_dma2 semaphore(%arg17 : memref<!tpu.dma_semaphore, #tpu.memory_space<semaphore_mem>>) src(%dma_wait3A_134 : memref<8192xf32, #tpu.memory_space<hbm>>) dst(%arg9 : memref<8192xf32, #tpu.memory_space<vmem>>)
      %gt3A_135 = arith.constant 0 : i32
      %gt3A_136 = arith.cmpi sgt, %scan3A_54, %gt3A_135 : i32
      %convert_element_type3A_137 = arith.extui %gt3A_136 : i1 to i32
      %cond3A_138 = arith.constant 0 : i32
      %cond3A_139 = arith.cmpi ne, %convert_element_type3A_137, %cond3A_138 : i32
      scf.if %cond3A_139 {
        %dma_wait3A_158 = arith.constant 0 : i32
        %dma_wait3A_159 = tpu.memref_slice %arg4[%dma_wait3A_158] : memref<33554432xf32, #tpu.memory_space<hbm>> -> memref<8192xf32, #tpu.memory_space<hbm>>
        %dma_wait3A_160 = arith.constant 0 : i32
        %dma_wait3A_161 = tpu.memref_slice %arg4[%dma_wait3A_160] : memref<33554432xf32, #tpu.memory_space<hbm>> -> memref<8192xf32, #tpu.memory_space<hbm>>
        tpu.wait_dma2 semaphore(%arg21 : memref<!tpu.dma_semaphore, #tpu.memory_space<semaphore_mem>>) src(%arg13 : memref<8192xf32, #tpu.memory_space<vmem>>) dst(%dma_wait3A_161 : memref<8192xf32, #tpu.memory_space<hbm>>)
      } else {
      }
      %parallel_loop3A_140 = arith.constant 0 : i32
      %parallel_loop3A_141 = arith.constant 64 : i32
      %parallel_loop3A_142 = arith.constant 1 : i32
      scf.for %parallel_loop3A_158 = %parallel_loop3A_140 to %parallel_loop3A_141 step %parallel_loop3A_142  : i32 {
        %parallel_loop3A_159 = arith.constant 128 : i32
        %parallel_loop3A_160 = arith.muli %parallel_loop3A_158, %parallel_loop3A_159 : i32
        %parallel_loop3A_161 = tpu.memref_slice %arg9[%parallel_loop3A_160] : memref<8192xf32, #tpu.memory_space<vmem>> -> memref<128xf32, #tpu.memory_space<vmem>>
        %parallel_loop3A_162 = tpu.vector_load_idx %parallel_loop3A_161[%get3A_3] : memref<128xf32, #tpu.memory_space<vmem>>[vector<16xi32>], vector<16xf32>,
        %parallel_loop3A_163 = arith.constant 0 : i32
        %parallel_loop3A_164 = arith.addi %parallel_loop3A_160, %parallel_loop3A_163 : i32
        %parallel_loop3A_165 = arith.index_cast %parallel_loop3A_164 : i32 to index
        %parallel_loop3A_166 = tpu.vector_load %arg13[%parallel_loop3A_165] {strides = array<i32>} : memref<8192xf32, #tpu.memory_space<vmem>>, vector<16xf32>,
        tpu.vector_store %arg13[%parallel_loop3A_165], %parallel_loop3A_162 {strides = array<i32>} : memref<8192xf32, #tpu.memory_space<vmem>>, vector<16xf32>,
        %parallel_loop3A_167 = tpu.memref_slice %arg9[%parallel_loop3A_160] : memref<8192xf32, #tpu.memory_space<vmem>> -> memref<128xf32, #tpu.memory_space<vmem>>
        %parallel_loop3A_168 = tpu.vector_load_idx %parallel_loop3A_167[%get3A_5] : memref<128xf32, #tpu.memory_space<vmem>>[vector<16xi32>], vector<16xf32>,
        %parallel_loop3A_169 = arith.constant 16 : i32
        %parallel_loop3A_170 = arith.addi %parallel_loop3A_160, %parallel_loop3A_169 : i32
        %parallel_loop3A_171 = arith.index_cast %parallel_loop3A_170 : i32 to index
        %parallel_loop3A_172 = tpu.vector_load %arg13[%parallel_loop3A_171] {strides = array<i32>} : memref<8192xf32, #tpu.memory_space<vmem>>, vector<16xf32>,
        tpu.vector_store %arg13[%parallel_loop3A_171], %parallel_loop3A_168 {strides = array<i32>} : memref<8192xf32, #tpu.memory_space<vmem>>, vector<16xf32>,
        %parallel_loop3A_173 = tpu.memref_slice %arg9[%parallel_loop3A_160] : memref<8192xf32, #tpu.memory_space<vmem>> -> memref<128xf32, #tpu.memory_space<vmem>>
        %parallel_loop3A_174 = tpu.vector_load_idx %parallel_loop3A_173[%get3A_7] : memref<128xf32, #tpu.memory_space<vmem>>[vector<16xi32>], vector<16xf32>,
        %parallel_loop3A_175 = arith.constant 32 : i32
        %parallel_loop3A_176 = arith.addi %parallel_loop3A_160, %parallel_loop3A_175 : i32
        %parallel_loop3A_177 = arith.index_cast %parallel_loop3A_176 : i32 to index
        %parallel_loop3A_178 = tpu.vector_load %arg13[%parallel_loop3A_177] {strides = array<i32>} : memref<8192xf32, #tpu.memory_space<vmem>>, vector<16xf32>,
        tpu.vector_store %arg13[%parallel_loop3A_177], %parallel_loop3A_174 {strides = array<i32>} : memref<8192xf32, #tpu.memory_space<vmem>>, vector<16xf32>,
        %parallel_loop3A_179 = tpu.memref_slice %arg9[%parallel_loop3A_160] : memref<8192xf32, #tpu.memory_space<vmem>> -> memref<128xf32, #tpu.memory_space<vmem>>
        %parallel_loop3A_180 = tpu.vector_load_idx %parallel_loop3A_179[%get3A_9] : memref<128xf32, #tpu.memory_space<vmem>>[vector<16xi32>], vector<16xf32>,
        %parallel_loop3A_181 = arith.constant 48 : i32
        %parallel_loop3A_182 = arith.addi %parallel_loop3A_160, %parallel_loop3A_181 : i32
        %parallel_loop3A_183 = arith.index_cast %parallel_loop3A_182 : i32 to index
        %parallel_loop3A_184 = tpu.vector_load %arg13[%parallel_loop3A_183] {strides = array<i32>} : memref<8192xf32, #tpu.memory_space<vmem>>, vector<16xf32>,
        tpu.vector_store %arg13[%parallel_loop3A_183], %parallel_loop3A_180 {strides = array<i32>} : memref<8192xf32, #tpu.memory_space<vmem>>, vector<16xf32>,
        %parallel_loop3A_185 = tpu.memref_slice %arg9[%parallel_loop3A_160] : memref<8192xf32, #tpu.memory_space<vmem>> -> memref<128xf32, #tpu.memory_space<vmem>>
        %parallel_loop3A_186 = tpu.vector_load_idx %parallel_loop3A_185[%get3A_11] : memref<128xf32, #tpu.memory_space<vmem>>[vector<16xi32>], vector<16xf32>,
        %parallel_loop3A_187 = arith.constant 64 : i32
        %parallel_loop3A_188 = arith.addi %parallel_loop3A_160, %parallel_loop3A_187 : i32
        %parallel_loop3A_189 = arith.index_cast %parallel_loop3A_188 : i32 to index
        %parallel_loop3A_190 = tpu.vector_load %arg13[%parallel_loop3A_189] {strides = array<i32>} : memref<8192xf32, #tpu.memory_space<vmem>>, vector<16xf32>,
        tpu.vector_store %arg13[%parallel_loop3A_189], %parallel_loop3A_186 {strides = array<i32>} : memref<8192xf32, #tpu.memory_space<vmem>>, vector<16xf32>,
        %parallel_loop3A_191 = tpu.memref_slice %arg9[%parallel_loop3A_160] : memref<8192xf32, #tpu.memory_space<vmem>> -> memref<128xf32, #tpu.memory_space<vmem>>
        %parallel_loop3A_192 = tpu.vector_load_idx %parallel_loop3A_191[%get3A_13] : memref<128xf32, #tpu.memory_space<vmem>>[vector<16xi32>], vector<16xf32>,
        %parallel_loop3A_193 = arith.constant 80 : i32
        %parallel_loop3A_194 = arith.addi %parallel_loop3A_160, %parallel_loop3A_193 : i32
        %parallel_loop3A_195 = arith.index_cast %parallel_loop3A_194 : i32 to index
        %parallel_loop3A_196 = tpu.vector_load %arg13[%parallel_loop3A_195] {strides = array<i32>} : memref<8192xf32, #tpu.memory_space<vmem>>, vector<16xf32>,
        tpu.vector_store %arg13[%parallel_loop3A_195], %parallel_loop3A_192 {strides = array<i32>} : memref<8192xf32, #tpu.memory_space<vmem>>, vector<16xf32>,
        %parallel_loop3A_197 = tpu.memref_slice %arg9[%parallel_loop3A_160] : memref<8192xf32, #tpu.memory_space<vmem>> -> memref<128xf32, #tpu.memory_space<vmem>>
        %parallel_loop3A_198 = tpu.vector_load_idx %parallel_loop3A_197[%get3A_15] : memref<128xf32, #tpu.memory_space<vmem>>[vector<16xi32>], vector<16xf32>,
        %parallel_loop3A_199 = arith.constant 96 : i32
        %parallel_loop3A_200 = arith.addi %parallel_loop3A_160, %parallel_loop3A_199 : i32
        %parallel_loop3A_201 = arith.index_cast %parallel_loop3A_200 : i32 to index
        %parallel_loop3A_202 = tpu.vector_load %arg13[%parallel_loop3A_201] {strides = array<i32>} : memref<8192xf32, #tpu.memory_space<vmem>>, vector<16xf32>,
        tpu.vector_store %arg13[%parallel_loop3A_201], %parallel_loop3A_198 {strides = array<i32>} : memref<8192xf32, #tpu.memory_space<vmem>>, vector<16xf32>,
        %parallel_loop3A_203 = tpu.memref_slice %arg9[%parallel_loop3A_160] : memref<8192xf32, #tpu.memory_space<vmem>> -> memref<128xf32, #tpu.memory_space<vmem>>
        %parallel_loop3A_204 = tpu.vector_load_idx %parallel_loop3A_203[%get3A_17] : memref<128xf32, #tpu.memory_space<vmem>>[vector<16xi32>], vector<16xf32>,
        %parallel_loop3A_205 = arith.constant 112 : i32
        %parallel_loop3A_206 = arith.addi %parallel_loop3A_160, %parallel_loop3A_205 : i32
        %parallel_loop3A_207 = arith.index_cast %parallel_loop3A_206 : i32 to index
        %parallel_loop3A_208 = tpu.vector_load %arg13[%parallel_loop3A_207] {strides = array<i32>} : memref<8192xf32, #tpu.memory_space<vmem>>, vector<16xf32>,
        tpu.vector_store %arg13[%parallel_loop3A_207], %parallel_loop3A_204 {strides = array<i32>} : memref<8192xf32, #tpu.memory_space<vmem>>, vector<16xf32>,
      } {sc.loop_unroll_factor = 8 : i64, sc.parallel_access}
      %add3A_143 = arith.constant 3 : i32
      %add3A_144 = arith.addi %mul3A_57, %add3A_143 : i32
      %mul3A_145 = arith.constant 262144 : i32
      %mul3A_146 = arith.muli %add3A_144, %mul3A_145 : i32
      %add3A_147 = arith.addi %mul3A_2, %mul3A_146 : i32
      %dma_start3A_148 = tpu.memref_slice %arg4[%add3A_147] : memref<33554432xf32, #tpu.memory_space<hbm>> -> memref<8192xf32, #tpu.memory_space<hbm>>
      %dma_start3A_149 = tpu.memref_slice %arg4[%add3A_147] : memref<33554432xf32, #tpu.memory_space<hbm>> -> memref<8192xf32, #tpu.memory_space<hbm>>
      tpu.enqueue_dma source(%arg13 : memref<8192xf32, #tpu.memory_space<vmem>>) target(%dma_start3A_149 : memref<8192xf32, #tpu.memory_space<hbm>>) target_semaphore(%arg21 : memref<!tpu.dma_semaphore, #tpu.memory_space<semaphore_mem>>)
      %add3A_150 = arith.constant 1 : i32
      %add3A_151 = arith.addi %scan3A_54, %add3A_150 : i32
      %lt3A_152 = arith.constant 32 : i32
      %lt3A_153 = arith.cmpi slt, %add3A_151, %lt3A_152 : i32
      %convert_element_type3A_154 = arith.extui %lt3A_153 : i1 to i32
      %cond3A_155 = arith.constant 0 : i32
      %cond3A_156 = arith.cmpi ne, %convert_element_type3A_154, %cond3A_155 : i32
      scf.if %cond3A_156 {
        %add3A_158 = arith.constant 4 : i32
        %add3A_159 = arith.addi %mul3A_57, %add3A_158 : i32
        %add3A_160 = arith.constant 3 : i32
        %add3A_161 = arith.addi %add3A_159, %add3A_160 : i32
        %mul3A_162 = arith.constant 262144 : i32
        %mul3A_163 = arith.muli %add3A_161, %mul3A_162 : i32
        %add3A_164 = arith.addi %mul3A_2, %mul3A_163 : i32
        %dma_start3A_165 = tpu.memref_slice %arg2[%add3A_164] : memref<33554432xf32, #tpu.memory_space<hbm>> -> memref<8192xf32, #tpu.memory_space<hbm>>
        %dma_start3A_166 = tpu.memref_slice %arg2[%add3A_164] : memref<33554432xf32, #tpu.memory_space<hbm>> -> memref<8192xf32, #tpu.memory_space<hbm>>
        tpu.enqueue_dma source(%dma_start3A_166 : memref<8192xf32, #tpu.memory_space<hbm>>) target(%arg9 : memref<8192xf32, #tpu.memory_space<vmem>>) target_semaphore(%arg17 : memref<!tpu.dma_semaphore, #tpu.memory_space<semaphore_mem>>)
      } else {
      }
      %scan3A_157 = arith.constant 0 : i32
      scf.yield %scan3A_157 : i32
    }
    %scan3A_38 = arith.constant 32 : i32
    %dma_wait3A = arith.constant 0 : i32
    %dma_wait3A_39 = tpu.memref_slice %arg4[%dma_wait3A] : memref<33554432xf32, #tpu.memory_space<hbm>> -> memref<8192xf32, #tpu.memory_space<hbm>>
    %dma_wait3A_40 = arith.constant 0 : i32
    %dma_wait3A_41 = tpu.memref_slice %arg4[%dma_wait3A_40] : memref<33554432xf32, #tpu.memory_space<hbm>> -> memref<8192xf32, #tpu.memory_space<hbm>>
    tpu.wait_dma2 semaphore(%arg18 : memref<!tpu.dma_semaphore, #tpu.memory_space<semaphore_mem>>) src(%arg10 : memref<8192xf32, #tpu.memory_space<vmem>>) dst(%dma_wait3A_41 : memref<8192xf32, #tpu.memory_space<hbm>>)
    %dma_wait3A_42 = arith.constant 0 : i32
    %dma_wait3A_43 = tpu.memref_slice %arg4[%dma_wait3A_42] : memref<33554432xf32, #tpu.memory_space<hbm>> -> memref<8192xf32, #tpu.memory_space<hbm>>
    %dma_wait3A_44 = arith.constant 0 : i32
    %dma_wait3A_45 = tpu.memref_slice %arg4[%dma_wait3A_44] : memref<33554432xf32, #tpu.memory_space<hbm>> -> memref<8192xf32, #tpu.memory_space<hbm>>
    tpu.wait_dma2 semaphore(%arg19 : memref<!tpu.dma_semaphore, #tpu.memory_space<semaphore_mem>>) src(%arg11 : memref<8192xf32, #tpu.memory_space<vmem>>) dst(%dma_wait3A_45 : memref<8192xf32, #tpu.memory_space<hbm>>)
    %dma_wait3A_46 = arith.constant 0 : i32
    %dma_wait3A_47 = tpu.memref_slice %arg4[%dma_wait3A_46] : memref<33554432xf32, #tpu.memory_space<hbm>> -> memref<8192xf32, #tpu.memory_space<hbm>>
    %dma_wait3A_48 = arith.constant 0 : i32
    %dma_wait3A_49 = tpu.memref_slice %arg4[%dma_wait3A_48] : memref<33554432xf32, #tpu.memory_space<hbm>> -> memref<8192xf32, #tpu.memory_space<hbm>>
    tpu.wait_dma2 semaphore(%arg20 : memref<!tpu.dma_semaphore, #tpu.memory_space<semaphore_mem>>) src(%arg12 : memref<8192xf32, #tpu.memory_space<vmem>>) dst(%dma_wait3A_49 : memref<8192xf32, #tpu.memory_space<hbm>>)
    %dma_wait3A_50 = arith.constant 0 : i32
    %dma_wait3A_51 = tpu.memref_slice %arg4[%dma_wait3A_50] : memref<33554432xf32, #tpu.memory_space<hbm>> -> memref<8192xf32, #tpu.memory_space<hbm>>
    %dma_wait3A_52 = arith.constant 0 : i32
    %dma_wait3A_53 = tpu.memref_slice %arg4[%dma_wait3A_52] : memref<33554432xf32, #tpu.memory_space<hbm>> -> memref<8192xf32, #tpu.memory_space<hbm>>
    tpu.wait_dma2 semaphore(%arg21 : memref<!tpu.dma_semaphore, #tpu.memory_space<semaphore_mem>>) src(%arg13 : memref<8192xf32, #tpu.memory_space<vmem>>) dst(%dma_wait3A_53 : memref<8192xf32, #tpu.memory_space<hbm>>)
    return
  }
}

</mosaic_0001>

<sc_bundles>
// kernel: kernel.3.cloned.1.call-start
scs
__scs_entry_jumppad:
0x0: {  	(pc) =	sbr.rel $0x88, $3  }
0x1: {  	(tag) =	ssettag $0x0;
	lr =	simm.s32 $0x1  }
0x2: {  	[smem:$0x3F9F] =	sst lr;
	_ =	strace $0xD0000000  }
0x3: {  	_ = 	snop  }
0x4: {  	_ = 	snop  }
0x5: {  	_ = 	snop  }
0x6: {  	_ = 	snop  }
0x7: {  	_ = 	snop  }
__scs_overlays_trampoline_lowered:
0x8: {  	[smem:$0x3FAE] =	sst s0  }
0x9: {  	[smem:$0x3FAF] =	sst s1  }
0xa: {  	[smem:$0x3FB0] =	sst s2  }
0xb: {  	[smem:$0x3FB1] =	sst s3  }
0xc: {  	[smem:$0x3FB2] =	sst s4  }
0xd: {  	[smem:$0x3FB3] =	sst s5  }
0xe: {  	[smem:$0x3FB4] =	sst s6  }
0xf: {  	[smem:$0x3FB5] =	sst s7  }
0x10: {  	[smem:$0x3FB6] =	sst s8  }
0x11: {  	[smem:$0x3FB7] =	sst s9;
	s0 =	simm.s32 @!p0 $0x0  }
0x12: {  	s1 =	sld [smem:$0x3F9D];
	s0 =	simm.s32 @p0 $0x1  }
0x13: {  	[smem:$0x3FB8] =	sst s0;
	s0 =	simm.s32 @!p1 $0x0  }
0x14: {  	s2 =	sld [smem:$0x3F9C];
	s0 =	simm.s32 @p1 $0x1  }
0x15: {  	[smem:$0x3FB9] =	sst s0;
	s0 =	simm.s32 @!p2 $0x0  }
0x16: {  	s3 =	sld [smem:$0x3FDB];
	s0 =	simm.s32 @p2 $0x1  }
0x17: {  	s4 =	simm.s32 $0x1BF5;
	[smem:$0x3FBB] =	sst s0  }
0x18: {  	s0 =	sld [smem:$0x3F9E];
	_ =	swait.ge [sflag:s4], $0x0  }
0x19: {  	s7 =	sld [smem:$0x3F9F]  }
0x1a: {  	s8 =	sadd.s32 $0xFFFFE003, lr  }
0x1b: {  	s9 =	sadd.s32 $0xFFFFFEF7, lr;
	s5 =	simm.s32 $0xFFFFFFFF;
	p2 =	slt.u32 s8, $0xFFFFF086  }
0x1c: {  	p1 =	slt.u32 s9, $0xF7A;
	s5 =	simm.s32 @!p2 $0x0  }
0x1d: {  	s5 =	simm.s32 @p1 $0x1;
	p0 =	seq.s32 s7, s2  }
0x1e: {  	s7 =	smul.u32 @!p0 $0xF7A, s2;
	p2 =	seq.s32 @!p0 s5, $0x0  }
0x1f: {  	s9 =	smul.u32 $0xF7A, s1;
	s8 =	simm.s32 @!p0 $0x1BF5;
	p2 =	por !p2, p0  }
0x20: {  	[sflag:s8] =	ssyncset.s32 @!p0 $0xFFFFF086;
	s6 =	sadd.s32 @!p0 s3, s7;
	s7 =	simm.s32 @!p0 $0x108  }
0x21: {  	s3 =	sadd.s32 s3, s9;
	s6 =	sadd.s32 @!p0 $0x88, s6;
	s7 =	simm.s32 @p2 $0x1082  }
0x22: {  	[simem:s7], [sflag:s8] =	dma.local @!p0 [hbm:s6], $0xF7A  }
0x23: {  	s9 =	sor.u32 $0xD0000000, s2;
	s6 =	simm.s32 $0x108;
	_ =	swait.ge @!p0 [sflag:s8], $0x0  }
0x24: {  	s3 =	sadd.s32 $0x88, s3;
	s6 =	simm.s32 @!p1 $0x1082;
	[sflag:s4] =	ssyncset.s32 $0xFFFFF086  }
0x25: {  	[simem:s6], [sflag:s4] =	dma.local [hbm:s3], $0xF7A  }
0x26: {  	[smem:$0x3F9F] =	sst s1;
	(tag) =	ssettag s2;
	_ =	strace s9  }
0x27: {  	s1 =	sld [smem:$0x3FAF]  }
0x28: {  	s2 =	sld [smem:$0x3FB0]  }
0x29: {  	s4 =	sld [smem:$0x3FB2]  }
0x2a: {  	p0 =	seq.s32 s5, $0x0;
	s5 =	sld [smem:$0x3FB3]  }
0x2b: {  	s6 =	sld [smem:$0x3FB4]  }
0x2c: {  	s7 =	sld [smem:$0x3FB5]  }
0x2d: {  	s3 =	simm.s32 $0x108;
	s8 =	sld [smem:$0x3FB6]  }
0x2e: {  	s3 =	simm.s32 @!p0 $0x1082;
	s9 =	sld [smem:$0x3FB7]  }
0x2f: {  	lr =	sadd.s32 s0, s3;
	s0 =	sld [smem:$0x3FAE]  }
0x30: {  	s3 =	sld [smem:$0x3FB1]  }
0x31: {  	[smem:$0x3FBA] =	sst s10  }
0x32: {  	s10 =	sld [smem:$0x3FB8];
	_ =	sdelay $0x3  }
0x33: {  	p0 =	seq.s32 s10, $0x1;
	s10 =	sld [smem:$0x3FBA];
	_ =	sdelay $0x3  }
0x34: {  	[smem:$0x3FBA] =	sst s10  }
0x35: {  	s10 =	sld [smem:$0x3FB9];
	_ =	sdelay $0x3  }
0x36: {  	p1 =	seq.s32 s10, $0x1;
	s10 =	sld [smem:$0x3FBA];
	_ =	sdelay $0x3  }
0x37: {  	[smem:$0x3FBA] =	sst s10  }
0x38: {  	s10 =	sld [smem:$0x3FBB]  }
0x39: {  	_ = 	snop;
	(pc) =	sbr.ind lr, $3  }
0x3a: {  	_ = 	snop  }
0x3b: {  	_ = 	snop  }
0x3c: {  	p2 =	seq.s32 s10, $0x1;
	s10 =	sld [smem:$0x3FBA]  }
0x3d: {  	_ =	shalt  }
0x3e: {  	_ =	shalt  }
0x3f: {  	_ =	shalt  }
0x40: {  	_ =	shalt  }
0x41: {  	_ =	shalt  }
0x42: {  	_ =	shalt  }
0x43: {  	_ =	shalt  }
0x44: {  	_ =	shalt  }
0x45: {  	_ =	shalt  }
0x46: {  	_ =	shalt  }
0x47: {  	_ =	shalt  }
0x48: {  	_ =	shalt  }
0x49: {  	_ =	shalt  }
0x4a: {  	_ =	shalt  }
0x4b: {  	_ =	shalt  }
0x4c: {  	_ =	shalt  }
0x4d: {  	_ =	shalt  }
0x4e: {  	_ =	shalt  }
0x4f: {  	_ =	shalt  }
0x50: {  	_ =	shalt  }
0x51: {  	_ =	shalt  }
0x52: {  	_ =	shalt  }
0x53: {  	_ =	shalt  }
0x54: {  	_ =	shalt  }
0x55: {  	_ =	shalt  }
0x56: {  	_ =	shalt  }
0x57: {  	_ =	shalt  }
0x58: {  	_ =	shalt  }
0x59: {  	_ =	shalt  }
0x5a: {  	_ =	shalt  }
0x5b: {  	_ =	shalt  }
0x5c: {  	_ =	shalt  }
0x5d: {  	_ =	shalt  }
0x5e: {  	_ =	shalt  }
0x5f: {  	_ =	shalt  }
0x60: {  	_ =	shalt  }
0x61: {  	_ =	shalt  }
0x62: {  	_ =	shalt  }
0x63: {  	_ =	shalt  }
0x64: {  	_ =	shalt  }
0x65: {  	_ =	shalt  }
0x66: {  	_ =	shalt  }
0x67: {  	_ =	shalt  }
0x68: {  	_ =	shalt  }
0x69: {  	_ =	shalt  }
0x6a: {  	_ =	shalt  }
0x6b: {  	_ =	shalt  }
0x6c: {  	_ =	shalt  }
0x6d: {  	_ =	shalt  }
0x6e: {  	_ =	shalt  }
0x6f: {  	_ =	shalt  }
0x70: {  	_ =	shalt  }
0x71: {  	_ =	shalt  }
0x72: {  	_ =	shalt  }
0x73: {  	_ =	shalt  }
0x74: {  	_ =	shalt  }
0x75: {  	_ =	shalt  }
0x76: {  	_ =	shalt  }
0x77: {  	_ =	shalt  }
0x78: {  	_ =	shalt  }
0x79: {  	_ =	shalt  }
0x7a: {  	_ =	shalt  }
0x7b: {  	_ =	shalt  }
0x7c: {  	_ =	shalt  }
0x7d: {  	_ =	shalt  }
0x7e: {  	_ =	shalt  }
0x7f: {  	_ =	shalt  }
0x80: {  	_ =	shalt  }
0x81: {  	_ =	shalt  }
0x82: {  	_ =	shalt  }
0x83: {  	_ =	shalt  }
0x84: {  	_ =	shalt  }
0x85: {  	_ =	shalt  }
0x86: {  	_ =	shalt  }
0x87: {  	_ =	shalt  }
.Lfunc_end0:
.L_simem_size_0:
called_computation_lowered:
.L_overlay_start_0:
0x88: {  	s2 =	sld [smem:$0x3FD9]  }
0x89: {  	s3 =	sld [smem:$0x3FFE];
	_ =	sdelay $0x1  }
0x8a: {  	s1 =	srdreg.scid  }
0x8b: {  	s0 =	sand.u32 $0x1, s1  }
0x8c: {  	s18 =	sshll.u32 s0, $0xA;
	s2 =	sadd.s32 s3, s2  }
0x8d: {  	s2 =	sadd.s32 s2, s18  }
0x8e: {  	[smem:$0x3FC6] =	sst s2  }
0x8f: {  	_ = 	snop  }
0x90: {  	s2 =	sld [smem:$0x3FC9]  }
0x91: {  	s19 =	sld [smem:$0x3FC8]  }
0x92: {  	s4 =	sld [smem:$0x3FD0];
	(tm) =	ssettm $0x1  }
0x93: {  	s5 =	sld [smem:$0x3FFB];
	_ =	sdelay $0x3  }
0x94: {  	_ =	strace s5  }
0x95: {  	s5 =	sld [smem:$0x3FFC];
	_ =	sdelay $0x3  }
0x96: {  	_ =	strace s5  }
0x97: {  	s5 =	sld [smem:$0x3FFD];
	_ =	sdelay $0x3  }
0x98: {  	_ =	strace s5  }
0x99: {  	_ =	strace $0x8FFFFFFF  }
0x9a: {  	s20 =	sld [smem:$0x3FDB];
	_ =	sdelay $0x1  }
0x9b: {  	s6 =	simm.s32 $_scs_section_size  }
0x9c: {  	s7 =	simm.s32 $_size__tile_overlayer_lowered;
	s8 =	simm.s32 $_tile_overlayer_lowered  }
0x9d: {  	s23 =	simm.s32 $0x1BFF;
	s22 =	sshll.u32 s8, $0x1;
	s5 =	sadd.s32 s6, s20  }
0x9e: {  	s9 =	simm.s32 $0x0;
	s21 =	sshll.u32 s7, $0x1;
	s7 =	sadd.s32 s22, s5  }
0x9f: {  	[timem:s9], [sflag:s23] =	dma.local [hbm:s7], s21  }
0xa0: {  	_ =	swait.ge [sflag:s23], s21  }
0xa1: {  	s6 =	ssub.s32 $0x0, s21;
	[sflag:s23] =	ssyncset.done $0x0  }
0xa2: {  	[sflag:s23] =	ssyncadd.s32 s6;
	_ =	sdelay $0x1  }
0xa3: {  	s24 =	simm.s32 $0x1B8B  }
0xa4: {  	_ =	swait.ge [sflag:s24], $0x1  }
0xa5: {  	[sflag:s24] =	ssyncset.done $0x0  }
0xa6: {  	s25 =	simm.s32 $0x1B8E;
	[sflag:s24] =	ssyncadd.s32 $0xFFFFFFFF  }
0xa7: {  	s26 =	simm.s32 $execute0_lowered;
	[smem:$0x3FD2] =	sst s25  }
0xa8: {  	s6 =	sshll.u32 s26, $0x1;
	_ =	strace $0x80000046;
	[dreg:$0x1] =	wrdreg $0xFFFFFFFF  }
0xa9: {  	s28 =	simm.s32 $_size_execute0_lowered;
	s5 =	sadd.s32 s5, s6;
	[dreg:$0x0] =	wrdreg $0x0  }
0xaa: {  	s6 =	sshll.u32 s28, $0x1;
	[dreg:$0x2] =	wrdreg s5  }
0xab: {  	[dreg:$0x3] =	wrdreg s6  }
0xac: {  	[dreg:$0x4] =	wrdreg $0xC0  }
0xad: {  	_ =	task [dreg:s9], $0x5FFFF  }
0xae: {  	[dreg:$0x1] =	wrdreg $0xFFFFFFFF  }
0xaf: {  	[dreg:$0x0] =	wrdreg $0x60  }
0xb0: {  	[dreg:$0x2] =	wrdreg s2  }
0xb1: {  	[dreg:$0x3] =	wrdreg s19  }
0xb2: {  	[dreg:$0x4] =	wrdreg s4  }
0xb3: {  	[dreg:$0x5] =	wrdreg $0x9  }
0xb4: {  	_ =	task.clear_ibuf [dreg:s9], $0x6FFFF;
	_ =	strace $0x90000046  }
0xb5: {  	s29 =	simm.s32 $0x9;
	_ =	strace $0x80000048  }
0xb6: {  	_ =	swait.ge [sflag:s29], $0x1  }
0xb7: {  	[sflag:s29] =	ssyncadd.s32 $0xFFFFFFFF  }
0xb8: {  	_ =	strace $0x90000048  }
0xb9: {  	_ =	sfence  }
0xba: {  	s30 =	sld [smem:$0x0];
	_ =	sdelay $0x2  }
0xbb: {  	s31 =	sshll.u32 s1, $0xD;
	s1 =	sshrl.u32 s1, $0x2  }
0xbc: {  	s3 =	sand.u32 $0x4000, s31;
	s1 =	sadd.s32 s1, s30  }
0xbd: {  	s0 =	sor.u32 s3, s0;
	s1 =	sshll.u32 s1, $0x11  }
0xbe: {  	s0 =	sor.u32 s1, s0  }
0xbf: {  	s0 =	sadd.s32 $0x8F2B, s0  }
0xc0: {  	[sflag:s0] =	ssyncadd.remote.s32 $0x1  }
0xc1: {  	_ =	sfence.sel $0xFFFF  }
0xc2: {  	[dreg:$0x0] =	wrdreg $0xFFFFFFFF;
	(pc) =	sbr.abs _section_cstart, $3  }
0xc3: {  	[dreg:$0x1] =	wrdreg $0xFFFFFFFF  }
0xc4: {  	_ =	task.clear_ibuf [dreg:s9], $0x2FFFF;
	_ =	strace $0x9FFFFFFF  }
0xc5: {  	(tm) =	ssettm $0x7FFFFFFF  }
tec
execute0_lowered:
.L_overlay_start_1:
0x0: {  	(tag) =	ssettag $0x1  }
0x1: {  	s1 =	rddreg [dreg:$0x0];
	s0 =	srdreg.scid  }
0x2: {  	s2 =	stileid.u32;
	s4 =	rddreg [dreg:$0x2];
	s5 =	simm.s32 $0x0  }
0x3: {  	s17 =	simm.s32 $0x80;
	s18 =	simm.s32 $0x2080;
	s19 =	simm.s32 $0x4080  }
0x4: {  	s21 =	simm.s32 $0x1;
	s22 =	simm.s32 $0x8080;
	s23 =	simm.s32 $0x2  }
0x5: {  	s28 =	simm.s32 $0x7;
	s29 =	simm.s32 $0xC080;
	s0 =	sand.u32 $0x1, s0  }
0x6: {  	s30 =	simm.s32 $0x4;
	s2 =	sshll.u32 s2, $0xE;
	s3 =	sshll.u32 s0, $0xD  }
0x7: {  	s31 =	simm.s32 $0x8;
	s0 =	ssub.s32 $0x2, s0;
	s6 =	sor.u32 s3, s2  }
0x8: {  	[smem:$0x7FF] =	sst s5;
	s24 =	sshrl.u32 s0, $0x1;
	s2 =	sshrl.u32 s6, $0x3  }
0x9: {  	_ =	strace $0x80000047;
	s0 =	ssub.s32 s0, s24;
	s2 =	sadd.s32 s1, s2  }
0xa: {  	s3 =	simm.s32 $0x0;
	s0 =	smax.u32 s0, $0x1;
	[dreg:$0x4] =	wrdreg s2  }
0xb: {  	s11 =	sor.u32 $0x100000, s6;
	s25 =	sadd.s32 $0x8000, s2;
	[dreg:$0x8] =	wrdreg s0  }
0xc: {  	s12 =	sor.u32 $0x140000, s6;
	s26 =	sadd.s32 $0x10000, s2;
	[dreg:$0x5] =	wrdreg s25  }
0xd: {  	s13 =	sor.u32 $0x180000, s6;
	s2 =	sadd.s32 $0x18000, s2;
	[dreg:$0x6] =	wrdreg s26  }
0xe: {  	s14 =	sor.u32 $0x1C0000, s6;
	s24 =	simm.s32 $0x6;
	[dreg:$0x7] =	wrdreg s2  }
0xf: {  	s25 =	simm.s32 $0xA080;
	s26 =	simm.s32 $0x3;
	s2 =	simm.s32 $0xE080  }
.LBB2_1:
0x10: {  	s0 =	rddreg [dreg:$0x1];
	s9 =	simm.s32 $0x9  }
0x11: {  	[tilespmem:s5], [sflag:$0x9] =	stream.linear.gather [hbm4b:s0+s5], $0x80, $0x38;
	[tilespmem:$0x10080] =	vst v63  }
0x12: {  	_ =	swait.ge [sflag:s9], $0x80  }
0x13: {  	[sflag:s9] =	ssyncset.done $0x0  }
0x14: {  	[sflag:s9] =	ssyncadd.s32 $0xFFFFFF80  }
0x15: {  	v0 =	vld [tilespmem:$0x0]  }
0x16: {  	v1 =	vld [tilespmem:$0x10]  }
0x17: {  	v2 =	vld [tilespmem:$0x20]  }
0x18: {  	v3 =	vld [tilespmem:$0x30]  }
0x19: {  	v4 =	vld [tilespmem:$0x40]  }
0x1a: {  	v5 =	vld [tilespmem:$0x50]  }
0x1b: {  	s10 =	rddreg [dreg:$0x4];
	v6 =	vld [tilespmem:$0x60]  }
0x1c: {  	v7 =	vld [tilespmem:$0x70];
	[tilespmem:s17], [sflag:$0x1] =	stream.linear.gather [hbm4b:s10+s5], $0x2000, $0x38  }
0x1d: {  	s15 =	rddreg [dreg:$0x5]  }
0x1e: {  	[tilespmem:s18], [sflag:$0x2] =	stream.linear.gather [hbm4b:s15+s5], $0x2000, $0x38;
	[tilespmem:$0x10080] =	vst v63  }
0x1f: {  	s16 =	rddreg [dreg:$0x6]  }
0x20: {  	[tilespmem:s19], [sflag:$0x3] =	stream.linear.gather [hbm4b:s16+s5], $0x2000, $0x38;
	[tilespmem:$0x10080] =	vst v63  }
0x21: {  	s7 =	simm.s32 $0x6080;
	s20 =	rddreg [dreg:$0x7]  }
0x22: {  	[tilespmem:s7], [sflag:$0x4] =	stream.linear.gather [hbm4b:s20+s5], $0x2000, $0x38;
	[tilespmem:$0x10080] =	vst v63  }
0x23: {  	s20 =	simm.s32 $0x0  }
.LBB2_2:
0x24: {  	_ =	swait.ge [sflag:s21], $0x2000  }
0x25: {  	p0 =	seq.s32 s20, $0x0;
	[sflag:s21] =	ssyncset.done $0x0  }
0x26: {  	s7 =	simm.s32 @!p0 $0x5;
	[sflag:s21] =	ssyncadd.s32 $0xFFFFE000  }
0x27: {  	_ =	swait.ge @!p0 [sflag:s7], $0x2000  }
0x28: {  	[sflag:s7] =	ssyncset.done @!p0 $0x0  }
0x29: {  	s9 =	simm.s32 $0x0;
	[sflag:s7] =	ssyncadd.s32 @!p0 $0xFFFFE000  }
0x2a: {  	v8 =	vld.idx.msk [tilespmem:v0+s9+$0x400], $0xffff  }
0x2b: {  	v9 =	vld.idx.msk [tilespmem:v0+s9+$0x80], $0xffff  }
0x2c: {  	v10 =	vld.idx.msk [tilespmem:v0+s9+$0x100], $0xffff  }
0x2d: {  	v11 =	vld.idx.msk [tilespmem:v0+s9+$0x180], $0xffff  }
0x2e: {  	v12 =	vld.idx.msk [tilespmem:v0+s9+$0x200], $0xffff  }
0x2f: {  	v13 =	vld.idx.msk [tilespmem:v0+s9+$0x280], $0xffff  }
0x30: {  	v14 =	vld.idx.msk [tilespmem:v0+s9+$0x300], $0xffff;
	[tilespmem:s9+$0x8400] =	vst v8  }
0x31: {  	[tilespmem:s9+$0x8080] =	vst v9;
	v9 =	vld.idx.msk [tilespmem:v0+s9+$0x380], $0xffff  }
0x32: {  	[tilespmem:s9+$0x8100] =	vst v10;
	v8 =	vld.idx.msk [tilespmem:v1+s9+$0x400], $0xffff  }
0x33: {  	[tilespmem:s9+$0x8180] =	vst v11;
	v10 =	vld.idx.msk [tilespmem:v1+s9+$0x80], $0xffff  }
0x34: {  	[tilespmem:s9+$0x8200] =	vst v12;
	v11 =	vld.idx.msk [tilespmem:v1+s9+$0x100], $0xffff  }
0x35: {  	[tilespmem:s9+$0x8280] =	vst v13;
	v12 =	vld.idx.msk [tilespmem:v1+s9+$0x180], $0xffff  }
0x36: {  	[tilespmem:s9+$0x8300] =	vst v14;
	v13 =	vld.idx.msk [tilespmem:v1+s9+$0x200], $0xffff  }
0x37: {  	v14 =	vld.idx.msk [tilespmem:v1+s9+$0x280], $0xffff;
	[tilespmem:s9+$0x8380] =	vst v9  }
0x38: {  	v9 =	vld.idx.msk [tilespmem:v1+s9+$0x300], $0xffff;
	[tilespmem:s9+$0x8410] =	vst v8  }
0x39: {  	[tilespmem:s9+$0x8090] =	vst v10;
	v10 =	vld.idx.msk [tilespmem:v1+s9+$0x380], $0xffff  }
0x3a: {  	[tilespmem:s9+$0x8110] =	vst v11;
	v8 =	vld.idx.msk [tilespmem:v2+s9+$0x400], $0xffff  }
0x3b: {  	[tilespmem:s9+$0x8190] =	vst v12;
	v11 =	vld.idx.msk [tilespmem:v2+s9+$0x80], $0xffff  }
0x3c: {  	[tilespmem:s9+$0x8210] =	vst v13;
	v12 =	vld.idx.msk [tilespmem:v2+s9+$0x100], $0xffff  }
0x3d: {  	[tilespmem:s9+$0x8290] =	vst v14;
	v13 =	vld.idx.msk [tilespmem:v2+s9+$0x180], $0xffff  }
0x3e: {  	v14 =	vld.idx.msk [tilespmem:v2+s9+$0x200], $0xffff;
	[tilespmem:s9+$0x8310] =	vst v9  }
0x3f: {  	v9 =	vld.idx.msk [tilespmem:v2+s9+$0x280], $0xffff;
	[tilespmem:s9+$0x8390] =	vst v10  }
0x40: {  	v10 =	vld.idx.msk [tilespmem:v2+s9+$0x300], $0xffff;
	[tilespmem:s9+$0x8420] =	vst v8  }
0x41: {  	[tilespmem:s9+$0x80A0] =	vst v11;
	v11 =	vld.idx.msk [tilespmem:v2+s9+$0x380], $0xffff  }
0x42: {  	[tilespmem:s9+$0x8120] =	vst v12;
	v8 =	vld.idx.msk [tilespmem:v3+s9+$0x400], $0xffff  }
0x43: {  	[tilespmem:s9+$0x81A0] =	vst v13;
	v12 =	vld.idx.msk [tilespmem:v3+s9+$0x80], $0xffff  }
0x44: {  	[tilespmem:s9+$0x8220] =	vst v14;
	v13 =	vld.idx.msk [tilespmem:v3+s9+$0x100], $0xffff  }
0x45: {  	v14 =	vld.idx.msk [tilespmem:v3+s9+$0x180], $0xffff;
	[tilespmem:s9+$0x82A0] =	vst v9  }
0x46: {  	v9 =	vld.idx.msk [tilespmem:v3+s9+$0x200], $0xffff;
	[tilespmem:s9+$0x8320] =	vst v10  }
0x47: {  	v10 =	vld.idx.msk [tilespmem:v3+s9+$0x280], $0xffff;
	[tilespmem:s9+$0x83A0] =	vst v11  }
0x48: {  	v11 =	vld.idx.msk [tilespmem:v3+s9+$0x300], $0xffff;
	[tilespmem:s9+$0x8430] =	vst v8  }
0x49: {  	[tilespmem:s9+$0x80B0] =	vst v12;
	v12 =	vld.idx.msk [tilespmem:v3+s9+$0x380], $0xffff  }
0x4a: {  	[tilespmem:s9+$0x8130] =	vst v13;
	v8 =	vld.idx.msk [tilespmem:v4+s9+$0x400], $0xffff  }
0x4b: {  	[tilespmem:s9+$0x81B0] =	vst v14;
	v13 =	vld.idx.msk [tilespmem:v4+s9+$0x80], $0xffff  }
0x4c: {  	v14 =	vld.idx.msk [tilespmem:v4+s9+$0x100], $0xffff;
	[tilespmem:s9+$0x8230] =	vst v9  }
0x4d: {  	v9 =	vld.idx.msk [tilespmem:v4+s9+$0x180], $0xffff;
	[tilespmem:s9+$0x82B0] =	vst v10  }
0x4e: {  	v10 =	vld.idx.msk [tilespmem:v4+s9+$0x200], $0xffff;
	[tilespmem:s9+$0x8330] =	vst v11  }
0x4f: {  	v11 =	vld.idx.msk [tilespmem:v4+s9+$0x280], $0xffff;
	[tilespmem:s9+$0x83B0] =	vst v12  }
0x50: {  	v12 =	vld.idx.msk [tilespmem:v4+s9+$0x300], $0xffff;
	[tilespmem:s9+$0x8440] =	vst v8  }
0x51: {  	[tilespmem:s9+$0x80C0] =	vst v13;
	v13 =	vld.idx.msk [tilespmem:v4+s9+$0x380], $0xffff  }
0x52: {  	[tilespmem:s9+$0x8140] =	vst v14;
	v8 =	vld.idx.msk [tilespmem:v5+s9+$0x400], $0xffff  }
0x53: {  	v14 =	vld.idx.msk [tilespmem:v5+s9+$0x80], $0xffff;
	[tilespmem:s9+$0x81C0] =	vst v9  }
0x54: {  	v9 =	vld.idx.msk [tilespmem:v5+s9+$0x100], $0xffff;
	[tilespmem:s9+$0x8240] =	vst v10  }
0x55: {  	v10 =	vld.idx.msk [tilespmem:v5+s9+$0x180], $0xffff;
	[tilespmem:s9+$0x82C0] =	vst v11  }
0x56: {  	v11 =	vld.idx.msk [tilespmem:v5+s9+$0x200], $0xffff;
	[tilespmem:s9+$0x8340] =	vst v12  }
0x57: {  	v12 =	vld.idx.msk [tilespmem:v5+s9+$0x280], $0xffff;
	[tilespmem:s9+$0x83C0] =	vst v13  }
0x58: {  	v13 =	vld.idx.msk [tilespmem:v5+s9+$0x300], $0xffff;
	[tilespmem:s9+$0x8450] =	vst v8  }
0x59: {  	[tilespmem:s9+$0x80D0] =	vst v14;
	v14 =	vld.idx.msk [tilespmem:v5+s9+$0x380], $0xffff  }
0x5a: {  	[tilespmem:s9+$0x8150] =	vst v9;
	v8 =	vld.idx.msk [tilespmem:v6+s9+$0x400], $0xffff  }
0x5b: {  	v9 =	vld.idx.msk [tilespmem:v6+s9+$0x80], $0xffff;
	[tilespmem:s9+$0x81D0] =	vst v10  }
0x5c: {  	v15 =	vld.idx.msk [tilespmem:v6+s9+$0x100], $0xffff;
	[tilespmem:s9+$0x8250] =	vst v11  }
0x5d: {  	v11 =	vld.idx.msk [tilespmem:v6+s9+$0x180], $0xffff;
	[tilespmem:s9+$0x82D0] =	vst v12  }
0x5e: {  	v12 =	vld.idx.msk [tilespmem:v6+s9+$0x200], $0xffff;
	[tilespmem:s9+$0x8350] =	vst v13  }
0x5f: {  	v13 =	vld.idx.msk [tilespmem:v6+s9+$0x280], $0xffff;
	[tilespmem:s9+$0x8460] =	vst v8  }
0x60: {  	[tilespmem:s9+$0x83D0] =	vst v14;
	v8 =	vld.idx.msk [tilespmem:v7+s9+$0x400], $0xffff  }
0x61: {  	v14 =	vld.idx.msk [tilespmem:v6+s9+$0x300], $0xffff;
	[tilespmem:s9+$0x80E0] =	vst v9  }
0x62: {  	v16 =	vld.idx.msk [tilespmem:v6+s9+$0x380], $0xffff;
	[tilespmem:s9+$0x8160] =	vst v15  }
0x63: {  	v10 =	vld.idx.msk [tilespmem:v7+s9+$0x80], $0xffff;
	[tilespmem:s9+$0x81E0] =	vst v11  }
0x64: {  	v9 =	vld.idx.msk [tilespmem:v7+s9+$0x180], $0xffff;
	[tilespmem:s9+$0x8260] =	vst v12  }
0x65: {  	[tilespmem:s9+$0x8470] =	vst v8;
	v8 =	vld.idx.msk [tilespmem:v7+s9+$0x100], $0xffff  }
0x66: {  	v11 =	vld.idx.msk [tilespmem:v7+s9+$0x200], $0xffff;
	[tilespmem:s9+$0x82E0] =	vst v13  }
0x67: {  	v12 =	vld.idx.msk [tilespmem:v7+s9+$0x280], $0xffff;
	[tilespmem:s9+$0x8360] =	vst v14  }
0x68: {  	s8 =	sshll.u32 s20, $0x14;
	s10 =	simm.s32 $0x0;
	s7 =	simm.s32 $0x1000;
	v13 =	vld.idx.msk [tilespmem:v7+s9+$0x300], $0xffff;
	[tilespmem:s9+$0x83E0] =	vst v16  }
.LBB2_3:
0x69: {  	s15 =	sshra.s32 s7, $0x2;
	s10 =	sadd.s32 $0x8, s10;
	[tilespmem:s9+$0x80F0] =	vst v10;
	v10 =	vld.idx.msk [tilespmem:v7+s9+$0x380], $0xffff  }
0x6a: {  	v14 =	vld.idx.msk [tilespmem:v0+s15+$0x400], $0xffff;
	p1 =	slt.u32 s10, $0x38;
	[tilespmem:s9+$0x8170] =	vst v8  }
0x6b: {  	v8 =	vld.idx.msk [tilespmem:v0+s15+$0x80], $0xffff;
	[tilespmem:s9+$0x81F0] =	vst v9  }
0x6c: {  	v9 =	vld.idx.msk [tilespmem:v0+s15+$0x100], $0xffff;
	[tilespmem:s9+$0x8270] =	vst v11  }
0x6d: {  	v11 =	vld.idx.msk [tilespmem:v0+s15+$0x180], $0xffff;
	[tilespmem:s9+$0x82F0] =	vst v12  }
0x6e: {  	v12 =	vld.idx.msk [tilespmem:v0+s15+$0x200], $0xffff;
	[tilespmem:s9+$0x8370] =	vst v13  }
0x6f: {  	v13 =	vld.idx.msk [tilespmem:v0+s15+$0x280], $0xffff;
	[tilespmem:s9+$0x83F0] =	vst v10;
	s9 =	smov.u32 s15  }
0x70: {  	v10 =	vld.idx.msk [tilespmem:v0+s9+$0x300], $0xffff;
	[tilespmem:s9+$0x8400] =	vst v14  }
0x71: {  	[tilespmem:s9+$0x8080] =	vst v8;
	v8 =	vld.idx.msk [tilespmem:v1+s9+$0x400], $0xffff  }
0x72: {  	[tilespmem:s9+$0x8100] =	vst v9;
	v9 =	vld.idx.msk [tilespmem:v0+s9+$0x380], $0xffff  }
0x73: {  	v14 =	vld.idx.msk [tilespmem:v1+s9+$0x80], $0xffff;
	[tilespmem:s9+$0x8180] =	vst v11  }
0x74: {  	v11 =	vld.idx.msk [tilespmem:v1+s9+$0x100], $0xffff;
	[tilespmem:s9+$0x8200] =	vst v12  }
0x75: {  	v12 =	vld.idx.msk [tilespmem:v1+s9+$0x180], $0xffff;
	[tilespmem:s9+$0x8280] =	vst v13  }
0x76: {  	v13 =	vld.idx.msk [tilespmem:v1+s9+$0x200], $0xffff;
	[tilespmem:s9+$0x8300] =	vst v10  }
0x77: {  	v10 =	vld.idx.msk [tilespmem:v1+s9+$0x280], $0xffff;
	[tilespmem:s9+$0x8410] =	vst v8  }
0x78: {  	[tilespmem:s9+$0x8380] =	vst v9;
	v8 =	vld.idx.msk [tilespmem:v2+s9+$0x400], $0xffff  }
0x79: {  	[tilespmem:s9+$0x8090] =	vst v14;
	v9 =	vld.idx.msk [tilespmem:v1+s9+$0x300], $0xffff  }
0x7a: {  	[tilespmem:s9+$0x8110] =	vst v11;
	v11 =	vld.idx.msk [tilespmem:v1+s9+$0x380], $0xffff  }
0x7b: {  	v14 =	vld.idx.msk [tilespmem:v2+s9+$0x80], $0xffff;
	[tilespmem:s9+$0x8190] =	vst v12  }
0x7c: {  	v12 =	vld.idx.msk [tilespmem:v2+s9+$0x100], $0xffff;
	[tilespmem:s9+$0x8210] =	vst v13  }
0x7d: {  	v13 =	vld.idx.msk [tilespmem:v2+s9+$0x180], $0xffff;
	[tilespmem:s9+$0x8290] =	vst v10  }
0x7e: {  	v10 =	vld.idx.msk [tilespmem:v2+s9+$0x200], $0xffff;
	[tilespmem:s9+$0x8420] =	vst v8  }
0x7f: {  	[tilespmem:s9+$0x8310] =	vst v9;
	v8 =	vld.idx.msk [tilespmem:v3+s9+$0x400], $0xffff  }
0x80: {  	v9 =	vld.idx.msk [tilespmem:v2+s9+$0x280], $0xffff;
	[tilespmem:s9+$0x8390] =	vst v11  }
0x81: {  	[tilespmem:s9+$0x80A0] =	vst v14;
	v11 =	vld.idx.msk [tilespmem:v2+s9+$0x300], $0xffff  }
0x82: {  	[tilespmem:s9+$0x8120] =	vst v12;
	v12 =	vld.idx.msk [tilespmem:v2+s9+$0x380], $0xffff  }
0x83: {  	v14 =	vld.idx.msk [tilespmem:v3+s9+$0x80], $0xffff;
	[tilespmem:s9+$0x81A0] =	vst v13  }
0x84: {  	v13 =	vld.idx.msk [tilespmem:v3+s9+$0x100], $0xffff;
	[tilespmem:s9+$0x8220] =	vst v10  }
0x85: {  	v10 =	vld.idx.msk [tilespmem:v3+s9+$0x180], $0xffff;
	[tilespmem:s9+$0x8430] =	vst v8  }
0x86: {  	[tilespmem:s9+$0x82A0] =	vst v9;
	v8 =	vld.idx.msk [tilespmem:v4+s9+$0x400], $0xffff  }
0x87: {  	v9 =	vld.idx.msk [tilespmem:v3+s9+$0x200], $0xffff;
	[tilespmem:s9+$0x8320] =	vst v11  }
0x88: {  	v11 =	vld.idx.msk [tilespmem:v3+s9+$0x280], $0xffff;
	[tilespmem:s9+$0x83A0] =	vst v12  }
0x89: {  	[tilespmem:s9+$0x80B0] =	vst v14;
	v12 =	vld.idx.msk [tilespmem:v3+s9+$0x300], $0xffff  }
0x8a: {  	[tilespmem:s9+$0x8130] =	vst v13;
	v13 =	vld.idx.msk [tilespmem:v3+s9+$0x380], $0xffff  }
0x8b: {  	v14 =	vld.idx.msk [tilespmem:v4+s9+$0x80], $0xffff;
	[tilespmem:s9+$0x81B0] =	vst v10  }
0x8c: {  	v10 =	vld.idx.msk [tilespmem:v4+s9+$0x100], $0xffff;
	[tilespmem:s9+$0x8440] =	vst v8  }
0x8d: {  	[tilespmem:s9+$0x8230] =	vst v9;
	v8 =	vld.idx.msk [tilespmem:v5+s9+$0x400], $0xffff  }
0x8e: {  	v9 =	vld.idx.msk [tilespmem:v4+s9+$0x180], $0xffff;
	[tilespmem:s9+$0x82B0] =	vst v11  }
0x8f: {  	v11 =	vld.idx.msk [tilespmem:v4+s9+$0x200], $0xffff;
	[tilespmem:s9+$0x8330] =	vst v12  }
0x90: {  	v12 =	vld.idx.msk [tilespmem:v4+s9+$0x280], $0xffff;
	[tilespmem:s9+$0x83B0] =	vst v13  }
0x91: {  	[tilespmem:s9+$0x80C0] =	vst v14;
	v13 =	vld.idx.msk [tilespmem:v4+s9+$0x300], $0xffff  }
0x92: {  	[tilespmem:s9+$0x8140] =	vst v10;
	v10 =	vld.idx.msk [tilespmem:v4+s9+$0x380], $0xffff  }
0x93: {  	v14 =	vld.idx.msk [tilespmem:v5+s9+$0x80], $0xffff;
	[tilespmem:s9+$0x8450] =	vst v8  }
0x94: {  	[tilespmem:s9+$0x81C0] =	vst v9;
	v8 =	vld.idx.msk [tilespmem:v6+s9+$0x400], $0xffff  }
0x95: {  	v9 =	vld.idx.msk [tilespmem:v5+s9+$0x100], $0xffff;
	[tilespmem:s9+$0x8240] =	vst v11  }
0x96: {  	v11 =	vld.idx.msk [tilespmem:v5+s9+$0x180], $0xffff;
	[tilespmem:s9+$0x82C0] =	vst v12  }
0x97: {  	v12 =	vld.idx.msk [tilespmem:v5+s9+$0x200], $0xffff;
	[tilespmem:s9+$0x8340] =	vst v13  }
0x98: {  	v13 =	vld.idx.msk [tilespmem:v5+s9+$0x280], $0xffff;
	[tilespmem:s9+$0x83C0] =	vst v10  }
0x99: {  	[tilespmem:s9+$0x80D0] =	vst v14;
	v10 =	vld.idx.msk [tilespmem:v5+s9+$0x300], $0xffff  }
0x9a: {  	v14 =	vld.idx.msk [tilespmem:v5+s9+$0x380], $0xffff;
	[tilespmem:s9+$0x8460] =	vst v8  }
0x9b: {  	[tilespmem:s9+$0x8150] =	vst v9;
	v8 =	vld.idx.msk [tilespmem:v7+s9+$0x400], $0xffff  }
0x9c: {  	v9 =	vld.idx.msk [tilespmem:v6+s9+$0x80], $0xffff;
	[tilespmem:s9+$0x81D0] =	vst v11  }
0x9d: {  	v11 =	vld.idx.msk [tilespmem:v6+s9+$0x100], $0xffff;
	[tilespmem:s9+$0x8250] =	vst v12  }
0x9e: {  	v12 =	vld.idx.msk [tilespmem:v6+s9+$0x180], $0xffff;
	[tilespmem:s9+$0x82D0] =	vst v13  }
0x9f: {  	v13 =	vld.idx.msk [tilespmem:v6+s9+$0x200], $0xffff;
	[tilespmem:s9+$0x8350] =	vst v10  }
0xa0: {  	v15 =	vld.idx.msk [tilespmem:v6+s9+$0x280], $0xffff;
	[tilespmem:s9+$0x83D0] =	vst v14  }
0xa1: {  	v14 =	vld.idx.msk [tilespmem:v6+s9+$0x300], $0xffff;
	[tilespmem:s9+$0x8470] =	vst v8  }
0xa2: {  	[tilespmem:s9+$0x80E0] =	vst v9;
	v16 =	vld.idx.msk [tilespmem:v6+s9+$0x380], $0xffff  }
0xa3: {  	v10 =	vld.idx.msk [tilespmem:v7+s9+$0x80], $0xffff;
	[tilespmem:s9+$0x8160] =	vst v11  }
.Ltmp0:
0xa4: {  	v8 =	vld.idx.msk [tilespmem:v7+s9+$0x100], $0xffff;
	[tilespmem:s9+$0x81E0] =	vst v12;
	(pc) =	sbr.rel @p1 .LBB2_3-.Ltmp0, $4  }
0xa5: {  	v9 =	vld.idx.msk [tilespmem:v7+s9+$0x180], $0xffff;
	[tilespmem:s9+$0x8260] =	vst v13  }
0xa6: {  	v11 =	vld.idx.msk [tilespmem:v7+s9+$0x200], $0xffff;
	[tilespmem:s9+$0x82E0] =	vst v15  }
0xa7: {  	v12 =	vld.idx.msk [tilespmem:v7+s9+$0x280], $0xffff;
	[tilespmem:s9+$0x8360] =	vst v14  }
0xa8: {  	s7 =	sadd.s32 $0x1000, s7;
	v13 =	vld.idx.msk [tilespmem:v7+s9+$0x300], $0xffff;
	[tilespmem:s9+$0x83E0] =	vst v16  }
0xa9: {  	_ =	sdelay $0x2  }
0xaa: {  	[tilespmem:s9+$0x80F0] =	vst v10  }
0xab: {  	v63 =	vld.idx.msk [tilespmem:v7+s9+$0x380], $0xffff;
	[tilespmem:s9+$0x8170] =	vst v8  }
0xac: {  	p1 =	sne.s32 s20, $0x1F;
	[tilespmem:s9+$0x81F0] =	vst v9  }
.Ltmp1:
0xad: {  	[tilespmem:s9+$0x8270] =	vst v11;
	(pc) =	sbr.rel @p1 .LBB2_6-.Ltmp1, $4  }
0xae: {  	s7 =	sor.u32 s6, s8;
	[tilespmem:s9+$0x82F0] =	vst v12  }
0xaf: {  	s10 =	sshrl.u32 s7, $0x3;
	[tilespmem:s9+$0x8370] =	vst v13  }
0xb0: {  	s7 =	sadd.s32 s4, s10;
	[tilespmem:s9+$0x83F0] =	vst v63  }
0xb1: {  	[hbm4b:s7+s5] =	stream.linear.scatter [tilespmem:s22], [sflag:$0x5], $0x2000, $0x38;
	[tilespmem:$0x10080] =	vst v63  }
.Ltmp2:
0xb2: {  	(pc) =	sbr.rel .LBB2_7-.Ltmp2, $4  }
0xb3: {  	_ = 	snop  }
0xb4: {  	_ =	swait.ge [sflag:s23], $0x2000  }
0xb5: {  	[sflag:s23] =	ssyncset.done $0x0  }
0xb6: {  	[sflag:s23] =	ssyncadd.s32 $0xFFFFE000  }
.LBB2_6:
0xb7: {  	s7 =	sadd.s32 s11, s8  }
0xb8: {  	s7 =	sshrl.u32 s7, $0x3  }
.Ltmp3:
0xb9: {  	s7 =	sadd.s32 s1, s7;
	(pc) =	sbr.rel @p0 .LBB2_8-.Ltmp3, $4  }
0xba: {  	[tilespmem:s17], [sflag:$0x1] =	stream.linear.gather [hbm4b:s7+s5], $0x2000, $0x38;
	[tilespmem:$0x10080] =	vst v63  }
0xbb: {  	_ =	swait.ge [sflag:s23], $0x2000  }
0xbc: {  	[sflag:s23] =	ssyncset.done $0x0  }
0xbd: {  	[sflag:s23] =	ssyncadd.s32 $0xFFFFE000  }
.LBB2_7:
0xbe: {  	_ =	swait.ge [sflag:s24], $0x2000  }
0xbf: {  	[sflag:s24] =	ssyncset.done $0x0  }
0xc0: {  	[sflag:s24] =	ssyncadd.s32 $0xFFFFE000  }
.LBB2_8:
0xc1: {  	_ =	sdelay $0x2  }
0xc2: {  	s15 =	simm.s32 $0x0  }
0xc3: {  	v8 =	vld.idx.msk [tilespmem:v0+s15+$0x2400], $0xffff  }
0xc4: {  	v9 =	vld.idx.msk [tilespmem:v0+s15+$0x2080], $0xffff  }
0xc5: {  	v10 =	vld.idx.msk [tilespmem:v0+s15+$0x2100], $0xffff  }
0xc6: {  	v11 =	vld.idx.msk [tilespmem:v0+s15+$0x2180], $0xffff  }
0xc7: {  	v12 =	vld.idx.msk [tilespmem:v0+s15+$0x2200], $0xffff  }
0xc8: {  	v13 =	vld.idx.msk [tilespmem:v0+s15+$0x2280], $0xffff  }
0xc9: {  	v14 =	vld.idx.msk [tilespmem:v0+s15+$0x2300], $0xffff;
	[tilespmem:s15+$0xA400] =	vst v8  }
0xca: {  	[tilespmem:s15+$0xA080] =	vst v9;
	v9 =	vld.idx.msk [tilespmem:v0+s15+$0x2380], $0xffff  }
0xcb: {  	[tilespmem:s15+$0xA100] =	vst v10;
	v8 =	vld.idx.msk [tilespmem:v1+s15+$0x2400], $0xffff  }
0xcc: {  	[tilespmem:s15+$0xA180] =	vst v11;
	v10 =	vld.idx.msk [tilespmem:v1+s15+$0x2080], $0xffff  }
0xcd: {  	[tilespmem:s15+$0xA200] =	vst v12;
	v11 =	vld.idx.msk [tilespmem:v1+s15+$0x2100], $0xffff  }
0xce: {  	[tilespmem:s15+$0xA280] =	vst v13;
	v12 =	vld.idx.msk [tilespmem:v1+s15+$0x2180], $0xffff  }
0xcf: {  	[tilespmem:s15+$0xA300] =	vst v14;
	v13 =	vld.idx.msk [tilespmem:v1+s15+$0x2200], $0xffff  }
0xd0: {  	v14 =	vld.idx.msk [tilespmem:v1+s15+$0x2280], $0xffff;
	[tilespmem:s15+$0xA380] =	vst v9  }
0xd1: {  	v9 =	vld.idx.msk [tilespmem:v1+s15+$0x2300], $0xffff;
	[tilespmem:s15+$0xA410] =	vst v8  }
0xd2: {  	[tilespmem:s15+$0xA090] =	vst v10;
	v10 =	vld.idx.msk [tilespmem:v1+s15+$0x2380], $0xffff  }
0xd3: {  	[tilespmem:s15+$0xA110] =	vst v11;
	v8 =	vld.idx.msk [tilespmem:v2+s15+$0x2400], $0xffff  }
0xd4: {  	[tilespmem:s15+$0xA190] =	vst v12;
	v11 =	vld.idx.msk [tilespmem:v2+s15+$0x2080], $0xffff  }
0xd5: {  	[tilespmem:s15+$0xA210] =	vst v13;
	v12 =	vld.idx.msk [tilespmem:v2+s15+$0x2100], $0xffff  }
0xd6: {  	[tilespmem:s15+$0xA290] =	vst v14;
	v13 =	vld.idx.msk [tilespmem:v2+s15+$0x2180], $0xffff  }
0xd7: {  	v14 =	vld.idx.msk [tilespmem:v2+s15+$0x2200], $0xffff;
	[tilespmem:s15+$0xA310] =	vst v9  }
0xd8: {  	v9 =	vld.idx.msk [tilespmem:v2+s15+$0x2280], $0xffff;
	[tilespmem:s15+$0xA390] =	vst v10  }
0xd9: {  	v10 =	vld.idx.msk [tilespmem:v2+s15+$0x2300], $0xffff;
	[tilespmem:s15+$0xA420] =	vst v8  }
0xda: {  	[tilespmem:s15+$0xA0A0] =	vst v11;
	v11 =	vld.idx.msk [tilespmem:v2+s15+$0x2380], $0xffff  }
0xdb: {  	[tilespmem:s15+$0xA120] =	vst v12;
	v8 =	vld.idx.msk [tilespmem:v3+s15+$0x2400], $0xffff  }
0xdc: {  	[tilespmem:s15+$0xA1A0] =	vst v13;
	v12 =	vld.idx.msk [tilespmem:v3+s15+$0x2080], $0xffff  }
0xdd: {  	[tilespmem:s15+$0xA220] =	vst v14;
	v13 =	vld.idx.msk [tilespmem:v3+s15+$0x2100], $0xffff  }
0xde: {  	v14 =	vld.idx.msk [tilespmem:v3+s15+$0x2180], $0xffff;
	[tilespmem:s15+$0xA2A0] =	vst v9  }
0xdf: {  	v9 =	vld.idx.msk [tilespmem:v3+s15+$0x2200], $0xffff;
	[tilespmem:s15+$0xA320] =	vst v10  }
0xe0: {  	v10 =	vld.idx.msk [tilespmem:v3+s15+$0x2280], $0xffff;
	[tilespmem:s15+$0xA3A0] =	vst v11  }
0xe1: {  	v11 =	vld.idx.msk [tilespmem:v3+s15+$0x2300], $0xffff;
	[tilespmem:s15+$0xA430] =	vst v8  }
0xe2: {  	[tilespmem:s15+$0xA0B0] =	vst v12;
	v12 =	vld.idx.msk [tilespmem:v3+s15+$0x2380], $0xffff  }
0xe3: {  	[tilespmem:s15+$0xA130] =	vst v13;
	v8 =	vld.idx.msk [tilespmem:v4+s15+$0x2400], $0xffff  }
0xe4: {  	[tilespmem:s15+$0xA1B0] =	vst v14;
	v13 =	vld.idx.msk [tilespmem:v4+s15+$0x2080], $0xffff  }
0xe5: {  	v14 =	vld.idx.msk [tilespmem:v4+s15+$0x2100], $0xffff;
	[tilespmem:s15+$0xA230] =	vst v9  }
0xe6: {  	v9 =	vld.idx.msk [tilespmem:v4+s15+$0x2180], $0xffff;
	[tilespmem:s15+$0xA2B0] =	vst v10  }
0xe7: {  	v10 =	vld.idx.msk [tilespmem:v4+s15+$0x2200], $0xffff;
	[tilespmem:s15+$0xA330] =	vst v11  }
0xe8: {  	v11 =	vld.idx.msk [tilespmem:v4+s15+$0x2280], $0xffff;
	[tilespmem:s15+$0xA3B0] =	vst v12  }
0xe9: {  	v12 =	vld.idx.msk [tilespmem:v4+s15+$0x2300], $0xffff;
	[tilespmem:s15+$0xA440] =	vst v8  }
0xea: {  	[tilespmem:s15+$0xA0C0] =	vst v13;
	v13 =	vld.idx.msk [tilespmem:v4+s15+$0x2380], $0xffff  }
0xeb: {  	[tilespmem:s15+$0xA140] =	vst v14;
	v8 =	vld.idx.msk [tilespmem:v5+s15+$0x2400], $0xffff  }
0xec: {  	v14 =	vld.idx.msk [tilespmem:v5+s15+$0x2080], $0xffff;
	[tilespmem:s15+$0xA1C0] =	vst v9  }
0xed: {  	v9 =	vld.idx.msk [tilespmem:v5+s15+$0x2100], $0xffff;
	[tilespmem:s15+$0xA240] =	vst v10  }
0xee: {  	v10 =	vld.idx.msk [tilespmem:v5+s15+$0x2180], $0xffff;
	[tilespmem:s15+$0xA2C0] =	vst v11  }
0xef: {  	v11 =	vld.idx.msk [tilespmem:v5+s15+$0x2200], $0xffff;
	[tilespmem:s15+$0xA340] =	vst v12  }
0xf0: {  	v12 =	vld.idx.msk [tilespmem:v5+s15+$0x2280], $0xffff;
	[tilespmem:s15+$0xA3C0] =	vst v13  }
0xf1: {  	v13 =	vld.idx.msk [tilespmem:v5+s15+$0x2300], $0xffff;
	[tilespmem:s15+$0xA450] =	vst v8  }
0xf2: {  	[tilespmem:s15+$0xA0D0] =	vst v14;
	v14 =	vld.idx.msk [tilespmem:v5+s15+$0x2380], $0xffff  }
0xf3: {  	[tilespmem:s15+$0xA150] =	vst v9;
	v8 =	vld.idx.msk [tilespmem:v6+s15+$0x2400], $0xffff  }
0xf4: {  	v9 =	vld.idx.msk [tilespmem:v6+s15+$0x2080], $0xffff;
	[tilespmem:s15+$0xA1D0] =	vst v10  }
0xf5: {  	v15 =	vld.idx.msk [tilespmem:v6+s15+$0x2100], $0xffff;
	[tilespmem:s15+$0xA250] =	vst v11  }
0xf6: {  	v11 =	vld.idx.msk [tilespmem:v6+s15+$0x2180], $0xffff;
	[tilespmem:s15+$0xA2D0] =	vst v12  }
0xf7: {  	v12 =	vld.idx.msk [tilespmem:v6+s15+$0x2200], $0xffff;
	[tilespmem:s15+$0xA350] =	vst v13  }
0xf8: {  	v13 =	vld.idx.msk [tilespmem:v6+s15+$0x2280], $0xffff;
	[tilespmem:s15+$0xA460] =	vst v8  }
0xf9: {  	[tilespmem:s15+$0xA3D0] =	vst v14;
	v8 =	vld.idx.msk [tilespmem:v7+s15+$0x2400], $0xffff  }
0xfa: {  	v14 =	vld.idx.msk [tilespmem:v6+s15+$0x2300], $0xffff;
	[tilespmem:s15+$0xA0E0] =	vst v9  }
0xfb: {  	v16 =	vld.idx.msk [tilespmem:v6+s15+$0x2380], $0xffff;
	[tilespmem:s15+$0xA160] =	vst v15  }
0xfc: {  	v10 =	vld.idx.msk [tilespmem:v7+s15+$0x2080], $0xffff;
	[tilespmem:s15+$0xA1E0] =	vst v11  }
0xfd: {  	v9 =	vld.idx.msk [tilespmem:v7+s15+$0x2180], $0xffff;
	[tilespmem:s15+$0xA260] =	vst v12  }
0xfe: {  	[tilespmem:s15+$0xA470] =	vst v8;
	v8 =	vld.idx.msk [tilespmem:v7+s15+$0x2100], $0xffff  }
0xff: {  	v11 =	vld.idx.msk [tilespmem:v7+s15+$0x2200], $0xffff;
	[tilespmem:s15+$0xA2E0] =	vst v13  }
0x100: {  	v12 =	vld.idx.msk [tilespmem:v7+s15+$0x2280], $0xffff;
	[tilespmem:s15+$0xA360] =	vst v14  }
0x101: {  	s9 =	sadd.s32 $0x1, s20;
	s7 =	simm.s32 $0x0;
	s16 =	simm.s32 $0x1000;
	v13 =	vld.idx.msk [tilespmem:v7+s15+$0x2300], $0xffff;
	[tilespmem:s15+$0xA3E0] =	vst v16  }
.LBB2_9:
0x102: {  	s0 =	sshra.s32 s16, $0x2;
	s7 =	sadd.s32 $0x8, s7;
	[tilespmem:s15+$0xA0F0] =	vst v10;
	v10 =	vld.idx.msk [tilespmem:v7+s15+$0x2380], $0xffff  }
0x103: {  	v14 =	vld.idx.msk [tilespmem:v0+s0+$0x2400], $0xffff;
	p2 =	slt.u32 s7, $0x38;
	[tilespmem:s15+$0xA170] =	vst v8  }
0x104: {  	v8 =	vld.idx.msk [tilespmem:v0+s0+$0x2080], $0xffff;
	[tilespmem:s15+$0xA1F0] =	vst v9  }
0x105: {  	v9 =	vld.idx.msk [tilespmem:v0+s0+$0x2100], $0xffff;
	[tilespmem:s15+$0xA270] =	vst v11  }
0x106: {  	v11 =	vld.idx.msk [tilespmem:v0+s0+$0x2180], $0xffff;
	[tilespmem:s15+$0xA2F0] =	vst v12  }
0x107: {  	v12 =	vld.idx.msk [tilespmem:v0+s0+$0x2200], $0xffff;
	[tilespmem:s15+$0xA370] =	vst v13  }
0x108: {  	v13 =	vld.idx.msk [tilespmem:v0+s0+$0x2280], $0xffff;
	[tilespmem:s15+$0xA3F0] =	vst v10;
	s15 =	smov.u32 s0  }
0x109: {  	v10 =	vld.idx.msk [tilespmem:v0+s15+$0x2300], $0xffff;
	[tilespmem:s15+$0xA400] =	vst v14  }
0x10a: {  	[tilespmem:s15+$0xA080] =	vst v8;
	v8 =	vld.idx.msk [tilespmem:v1+s15+$0x2400], $0xffff  }
0x10b: {  	[tilespmem:s15+$0xA100] =	vst v9;
	v9 =	vld.idx.msk [tilespmem:v0+s15+$0x2380], $0xffff  }
0x10c: {  	v14 =	vld.idx.msk [tilespmem:v1+s15+$0x2080], $0xffff;
	[tilespmem:s15+$0xA180] =	vst v11  }
0x10d: {  	v11 =	vld.idx.msk [tilespmem:v1+s15+$0x2100], $0xffff;
	[tilespmem:s15+$0xA200] =	vst v12  }
0x10e: {  	v12 =	vld.idx.msk [tilespmem:v1+s15+$0x2180], $0xffff;
	[tilespmem:s15+$0xA280] =	vst v13  }
0x10f: {  	v13 =	vld.idx.msk [tilespmem:v1+s15+$0x2200], $0xffff;
	[tilespmem:s15+$0xA300] =	vst v10  }
0x110: {  	v10 =	vld.idx.msk [tilespmem:v1+s15+$0x2280], $0xffff;
	[tilespmem:s15+$0xA410] =	vst v8  }
0x111: {  	[tilespmem:s15+$0xA380] =	vst v9;
	v8 =	vld.idx.msk [tilespmem:v2+s15+$0x2400], $0xffff  }
0x112: {  	[tilespmem:s15+$0xA090] =	vst v14;
	v9 =	vld.idx.msk [tilespmem:v1+s15+$0x2300], $0xffff  }
0x113: {  	[tilespmem:s15+$0xA110] =	vst v11;
	v11 =	vld.idx.msk [tilespmem:v1+s15+$0x2380], $0xffff  }
0x114: {  	v14 =	vld.idx.msk [tilespmem:v2+s15+$0x2080], $0xffff;
	[tilespmem:s15+$0xA190] =	vst v12  }
0x115: {  	v12 =	vld.idx.msk [tilespmem:v2+s15+$0x2100], $0xffff;
	[tilespmem:s15+$0xA210] =	vst v13  }
0x116: {  	v13 =	vld.idx.msk [tilespmem:v2+s15+$0x2180], $0xffff;
	[tilespmem:s15+$0xA290] =	vst v10  }
0x117: {  	v10 =	vld.idx.msk [tilespmem:v2+s15+$0x2200], $0xffff;
	[tilespmem:s15+$0xA420] =	vst v8  }
0x118: {  	[tilespmem:s15+$0xA310] =	vst v9;
	v8 =	vld.idx.msk [tilespmem:v3+s15+$0x2400], $0xffff  }
0x119: {  	v9 =	vld.idx.msk [tilespmem:v2+s15+$0x2280], $0xffff;
	[tilespmem:s15+$0xA390] =	vst v11  }
0x11a: {  	[tilespmem:s15+$0xA0A0] =	vst v14;
	v11 =	vld.idx.msk [tilespmem:v2+s15+$0x2300], $0xffff  }
0x11b: {  	[tilespmem:s15+$0xA120] =	vst v12;
	v12 =	vld.idx.msk [tilespmem:v2+s15+$0x2380], $0xffff  }
0x11c: {  	v14 =	vld.idx.msk [tilespmem:v3+s15+$0x2080], $0xffff;
	[tilespmem:s15+$0xA1A0] =	vst v13  }
0x11d: {  	v13 =	vld.idx.msk [tilespmem:v3+s15+$0x2100], $0xffff;
	[tilespmem:s15+$0xA220] =	vst v10  }
0x11e: {  	v10 =	vld.idx.msk [tilespmem:v3+s15+$0x2180], $0xffff;
	[tilespmem:s15+$0xA430] =	vst v8  }
0x11f: {  	[tilespmem:s15+$0xA2A0] =	vst v9;
	v8 =	vld.idx.msk [tilespmem:v4+s15+$0x2400], $0xffff  }
0x120: {  	v9 =	vld.idx.msk [tilespmem:v3+s15+$0x2200], $0xffff;
	[tilespmem:s15+$0xA320] =	vst v11  }
0x121: {  	v11 =	vld.idx.msk [tilespmem:v3+s15+$0x2280], $0xffff;
	[tilespmem:s15+$0xA3A0] =	vst v12  }
0x122: {  	[tilespmem:s15+$0xA0B0] =	vst v14;
	v12 =	vld.idx.msk [tilespmem:v3+s15+$0x2300], $0xffff  }
0x123: {  	[tilespmem:s15+$0xA130] =	vst v13;
	v13 =	vld.idx.msk [tilespmem:v3+s15+$0x2380], $0xffff  }
0x124: {  	v14 =	vld.idx.msk [tilespmem:v4+s15+$0x2080], $0xffff;
	[tilespmem:s15+$0xA1B0] =	vst v10  }
0x125: {  	v10 =	vld.idx.msk [tilespmem:v4+s15+$0x2100], $0xffff;
	[tilespmem:s15+$0xA440] =	vst v8  }
0x126: {  	[tilespmem:s15+$0xA230] =	vst v9;
	v8 =	vld.idx.msk [tilespmem:v5+s15+$0x2400], $0xffff  }
0x127: {  	v9 =	vld.idx.msk [tilespmem:v4+s15+$0x2180], $0xffff;
	[tilespmem:s15+$0xA2B0] =	vst v11  }
0x128: {  	v11 =	vld.idx.msk [tilespmem:v4+s15+$0x2200], $0xffff;
	[tilespmem:s15+$0xA330] =	vst v12  }
0x129: {  	v12 =	vld.idx.msk [tilespmem:v4+s15+$0x2280], $0xffff;
	[tilespmem:s15+$0xA3B0] =	vst v13  }
0x12a: {  	[tilespmem:s15+$0xA0C0] =	vst v14;
	v13 =	vld.idx.msk [tilespmem:v4+s15+$0x2300], $0xffff  }
0x12b: {  	[tilespmem:s15+$0xA140] =	vst v10;
	v10 =	vld.idx.msk [tilespmem:v4+s15+$0x2380], $0xffff  }
0x12c: {  	v14 =	vld.idx.msk [tilespmem:v5+s15+$0x2080], $0xffff;
	[tilespmem:s15+$0xA450] =	vst v8  }
0x12d: {  	[tilespmem:s15+$0xA1C0] =	vst v9;
	v8 =	vld.idx.msk [tilespmem:v6+s15+$0x2400], $0xffff  }
0x12e: {  	v9 =	vld.idx.msk [tilespmem:v5+s15+$0x2100], $0xffff;
	[tilespmem:s15+$0xA240] =	vst v11  }
0x12f: {  	v11 =	vld.idx.msk [tilespmem:v5+s15+$0x2180], $0xffff;
	[tilespmem:s15+$0xA2C0] =	vst v12  }
0x130: {  	v12 =	vld.idx.msk [tilespmem:v5+s15+$0x2200], $0xffff;
	[tilespmem:s15+$0xA340] =	vst v13  }
0x131: {  	v13 =	vld.idx.msk [tilespmem:v5+s15+$0x2280], $0xffff;
	[tilespmem:s15+$0xA3C0] =	vst v10  }
0x132: {  	[tilespmem:s15+$0xA0D0] =	vst v14;
	v10 =	vld.idx.msk [tilespmem:v5+s15+$0x2300], $0xffff  }
0x133: {  	v14 =	vld.idx.msk [tilespmem:v5+s15+$0x2380], $0xffff;
	[tilespmem:s15+$0xA460] =	vst v8  }
0x134: {  	[tilespmem:s15+$0xA150] =	vst v9;
	v8 =	vld.idx.msk [tilespmem:v7+s15+$0x2400], $0xffff  }
0x135: {  	v9 =	vld.idx.msk [tilespmem:v6+s15+$0x2080], $0xffff;
	[tilespmem:s15+$0xA1D0] =	vst v11  }
0x136: {  	v11 =	vld.idx.msk [tilespmem:v6+s15+$0x2100], $0xffff;
	[tilespmem:s15+$0xA250] =	vst v12  }
0x137: {  	v12 =	vld.idx.msk [tilespmem:v6+s15+$0x2180], $0xffff;
	[tilespmem:s15+$0xA2D0] =	vst v13  }
0x138: {  	v13 =	vld.idx.msk [tilespmem:v6+s15+$0x2200], $0xffff;
	[tilespmem:s15+$0xA350] =	vst v10  }
0x139: {  	v15 =	vld.idx.msk [tilespmem:v6+s15+$0x2280], $0xffff;
	[tilespmem:s15+$0xA3D0] =	vst v14  }
0x13a: {  	v14 =	vld.idx.msk [tilespmem:v6+s15+$0x2300], $0xffff;
	[tilespmem:s15+$0xA470] =	vst v8  }
0x13b: {  	[tilespmem:s15+$0xA0E0] =	vst v9;
	v16 =	vld.idx.msk [tilespmem:v6+s15+$0x2380], $0xffff  }
0x13c: {  	v10 =	vld.idx.msk [tilespmem:v7+s15+$0x2080], $0xffff;
	[tilespmem:s15+$0xA160] =	vst v11  }
.Ltmp4:
0x13d: {  	v8 =	vld.idx.msk [tilespmem:v7+s15+$0x2100], $0xffff;
	[tilespmem:s15+$0xA1E0] =	vst v12;
	(pc) =	sbr.rel @p2 .LBB2_9-.Ltmp4, $4  }
0x13e: {  	v9 =	vld.idx.msk [tilespmem:v7+s15+$0x2180], $0xffff;
	[tilespmem:s15+$0xA260] =	vst v13  }
0x13f: {  	v11 =	vld.idx.msk [tilespmem:v7+s15+$0x2200], $0xffff;
	[tilespmem:s15+$0xA2E0] =	vst v15  }
0x140: {  	v12 =	vld.idx.msk [tilespmem:v7+s15+$0x2280], $0xffff;
	[tilespmem:s15+$0xA360] =	vst v14  }
0x141: {  	s16 =	sadd.s32 $0x1000, s16;
	v13 =	vld.idx.msk [tilespmem:v7+s15+$0x2300], $0xffff;
	[tilespmem:s15+$0xA3E0] =	vst v16  }
0x142: {  	_ =	sdelay $0x2  }
0x143: {  	[tilespmem:s15+$0xA0F0] =	vst v10  }
0x144: {  	v63 =	vld.idx.msk [tilespmem:v7+s15+$0x2380], $0xffff;
	[tilespmem:s15+$0xA170] =	vst v8  }
0x145: {  	[tilespmem:s15+$0xA1F0] =	vst v9  }
.Ltmp5:
0x146: {  	[tilespmem:s15+$0xA270] =	vst v11;
	(pc) =	sbr.rel @p1 .LBB2_12-.Ltmp5, $4  }
0x147: {  	[tilespmem:s15+$0xA2F0] =	vst v12  }
0x148: {  	s10 =	sadd.s32 s10, s4;
	[tilespmem:s15+$0xA370] =	vst v13  }
0x149: {  	s0 =	sadd.s32 $0x8000, s10;
	[tilespmem:s15+$0xA3F0] =	vst v63  }
0x14a: {  	[hbm4b:s0+s5] =	stream.linear.scatter [tilespmem:s25], [sflag:$0x6], $0x2000, $0x38;
	[tilespmem:$0x10080] =	vst v63  }
.Ltmp6:
0x14b: {  	(pc) =	sbr.rel .LBB2_13-.Ltmp6, $4  }
0x14c: {  	_ = 	snop  }
0x14d: {  	_ =	swait.ge [sflag:s26], $0x2000  }
0x14e: {  	[sflag:s26] =	ssyncset.done $0x0  }
0x14f: {  	[sflag:s26] =	ssyncadd.s32 $0xFFFFE000  }
.LBB2_12:
0x150: {  	s0 =	sadd.s32 s12, s8  }
0x151: {  	s0 =	sshrl.u32 s0, $0x3  }
.Ltmp7:
0x152: {  	s0 =	sadd.s32 s1, s0;
	(pc) =	sbr.rel @p0 .LBB2_14-.Ltmp7, $4  }
0x153: {  	[tilespmem:s18], [sflag:$0x2] =	stream.linear.gather [hbm4b:s0+s5], $0x2000, $0x38;
	[tilespmem:$0x10080] =	vst v63  }
0x154: {  	_ =	swait.ge [sflag:s26], $0x2000  }
0x155: {  	[sflag:s26] =	ssyncset.done $0x0  }
0x156: {  	[sflag:s26] =	ssyncadd.s32 $0xFFFFE000  }
.LBB2_13:
0x157: {  	_ =	swait.ge [sflag:s28], $0x2000  }
0x158: {  	[sflag:s28] =	ssyncset.done $0x0  }
0x159: {  	[sflag:s28] =	ssyncadd.s32 $0xFFFFE000  }
.LBB2_14:
0x15a: {  	_ =	sdelay $0x2  }
0x15b: {  	s15 =	simm.s32 $0x0  }
0x15c: {  	v8 =	vld.idx.msk [tilespmem:v0+s15+$0x4400], $0xffff  }
0x15d: {  	v9 =	vld.idx.msk [tilespmem:v0+s15+$0x4080], $0xffff  }
0x15e: {  	v10 =	vld.idx.msk [tilespmem:v0+s15+$0x4100], $0xffff  }
0x15f: {  	v11 =	vld.idx.msk [tilespmem:v0+s15+$0x4180], $0xffff  }
0x160: {  	v12 =	vld.idx.msk [tilespmem:v0+s15+$0x4200], $0xffff  }
0x161: {  	v13 =	vld.idx.msk [tilespmem:v0+s15+$0x4280], $0xffff  }
0x162: {  	v14 =	vld.idx.msk [tilespmem:v0+s15+$0x4300], $0xffff;
	[tilespmem:s15+$0xC400] =	vst v8  }
0x163: {  	[tilespmem:s15+$0xC080] =	vst v9;
	v9 =	vld.idx.msk [tilespmem:v0+s15+$0x4380], $0xffff  }
0x164: {  	[tilespmem:s15+$0xC100] =	vst v10;
	v8 =	vld.idx.msk [tilespmem:v1+s15+$0x4400], $0xffff  }
0x165: {  	[tilespmem:s15+$0xC180] =	vst v11;
	v10 =	vld.idx.msk [tilespmem:v1+s15+$0x4080], $0xffff  }
0x166: {  	[tilespmem:s15+$0xC200] =	vst v12;
	v11 =	vld.idx.msk [tilespmem:v1+s15+$0x4100], $0xffff  }
0x167: {  	[tilespmem:s15+$0xC280] =	vst v13;
	v12 =	vld.idx.msk [tilespmem:v1+s15+$0x4180], $0xffff  }
0x168: {  	[tilespmem:s15+$0xC300] =	vst v14;
	v13 =	vld.idx.msk [tilespmem:v1+s15+$0x4200], $0xffff  }
0x169: {  	v14 =	vld.idx.msk [tilespmem:v1+s15+$0x4280], $0xffff;
	[tilespmem:s15+$0xC380] =	vst v9  }
0x16a: {  	v9 =	vld.idx.msk [tilespmem:v1+s15+$0x4300], $0xffff;
	[tilespmem:s15+$0xC410] =	vst v8  }
0x16b: {  	[tilespmem:s15+$0xC090] =	vst v10;
	v10 =	vld.idx.msk [tilespmem:v1+s15+$0x4380], $0xffff  }
0x16c: {  	[tilespmem:s15+$0xC110] =	vst v11;
	v8 =	vld.idx.msk [tilespmem:v2+s15+$0x4400], $0xffff  }
0x16d: {  	[tilespmem:s15+$0xC190] =	vst v12;
	v11 =	vld.idx.msk [tilespmem:v2+s15+$0x4080], $0xffff  }
0x16e: {  	[tilespmem:s15+$0xC210] =	vst v13;
	v12 =	vld.idx.msk [tilespmem:v2+s15+$0x4100], $0xffff  }
0x16f: {  	[tilespmem:s15+$0xC290] =	vst v14;
	v13 =	vld.idx.msk [tilespmem:v2+s15+$0x4180], $0xffff  }
0x170: {  	v14 =	vld.idx.msk [tilespmem:v2+s15+$0x4200], $0xffff;
	[tilespmem:s15+$0xC310] =	vst v9  }
0x171: {  	v9 =	vld.idx.msk [tilespmem:v2+s15+$0x4280], $0xffff;
	[tilespmem:s15+$0xC390] =	vst v10  }
0x172: {  	v10 =	vld.idx.msk [tilespmem:v2+s15+$0x4300], $0xffff;
	[tilespmem:s15+$0xC420] =	vst v8  }
0x173: {  	[tilespmem:s15+$0xC0A0] =	vst v11;
	v11 =	vld.idx.msk [tilespmem:v2+s15+$0x4380], $0xffff  }
0x174: {  	[tilespmem:s15+$0xC120] =	vst v12;
	v8 =	vld.idx.msk [tilespmem:v3+s15+$0x4400], $0xffff  }
0x175: {  	[tilespmem:s15+$0xC1A0] =	vst v13;
	v12 =	vld.idx.msk [tilespmem:v3+s15+$0x4080], $0xffff  }
0x176: {  	[tilespmem:s15+$0xC220] =	vst v14;
	v13 =	vld.idx.msk [tilespmem:v3+s15+$0x4100], $0xffff  }
0x177: {  	v14 =	vld.idx.msk [tilespmem:v3+s15+$0x4180], $0xffff;
	[tilespmem:s15+$0xC2A0] =	vst v9  }
0x178: {  	v9 =	vld.idx.msk [tilespmem:v3+s15+$0x4200], $0xffff;
	[tilespmem:s15+$0xC320] =	vst v10  }
0x179: {  	v10 =	vld.idx.msk [tilespmem:v3+s15+$0x4280], $0xffff;
	[tilespmem:s15+$0xC3A0] =	vst v11  }
0x17a: {  	v11 =	vld.idx.msk [tilespmem:v3+s15+$0x4300], $0xffff;
	[tilespmem:s15+$0xC430] =	vst v8  }
0x17b: {  	[tilespmem:s15+$0xC0B0] =	vst v12;
	v12 =	vld.idx.msk [tilespmem:v3+s15+$0x4380], $0xffff  }
0x17c: {  	[tilespmem:s15+$0xC130] =	vst v13;
	v8 =	vld.idx.msk [tilespmem:v4+s15+$0x4400], $0xffff  }
0x17d: {  	[tilespmem:s15+$0xC1B0] =	vst v14;
	v13 =	vld.idx.msk [tilespmem:v4+s15+$0x4080], $0xffff  }
0x17e: {  	v14 =	vld.idx.msk [tilespmem:v4+s15+$0x4100], $0xffff;
	[tilespmem:s15+$0xC230] =	vst v9  }
0x17f: {  	v9 =	vld.idx.msk [tilespmem:v4+s15+$0x4180], $0xffff;
	[tilespmem:s15+$0xC2B0] =	vst v10  }
0x180: {  	v10 =	vld.idx.msk [tilespmem:v4+s15+$0x4200], $0xffff;
	[tilespmem:s15+$0xC330] =	vst v11  }
0x181: {  	v11 =	vld.idx.msk [tilespmem:v4+s15+$0x4280], $0xffff;
	[tilespmem:s15+$0xC3B0] =	vst v12  }
0x182: {  	v12 =	vld.idx.msk [tilespmem:v4+s15+$0x4300], $0xffff;
	[tilespmem:s15+$0xC440] =	vst v8  }
0x183: {  	[tilespmem:s15+$0xC0C0] =	vst v13;
	v13 =	vld.idx.msk [tilespmem:v4+s15+$0x4380], $0xffff  }
0x184: {  	[tilespmem:s15+$0xC140] =	vst v14;
	v8 =	vld.idx.msk [tilespmem:v5+s15+$0x4400], $0xffff  }
0x185: {  	v14 =	vld.idx.msk [tilespmem:v5+s15+$0x4080], $0xffff;
	[tilespmem:s15+$0xC1C0] =	vst v9  }
0x186: {  	v9 =	vld.idx.msk [tilespmem:v5+s15+$0x4100], $0xffff;
	[tilespmem:s15+$0xC240] =	vst v10  }
0x187: {  	v10 =	vld.idx.msk [tilespmem:v5+s15+$0x4180], $0xffff;
	[tilespmem:s15+$0xC2C0] =	vst v11  }
0x188: {  	v11 =	vld.idx.msk [tilespmem:v5+s15+$0x4200], $0xffff;
	[tilespmem:s15+$0xC340] =	vst v12  }
0x189: {  	v12 =	vld.idx.msk [tilespmem:v5+s15+$0x4280], $0xffff;
	[tilespmem:s15+$0xC3C0] =	vst v13  }
0x18a: {  	v13 =	vld.idx.msk [tilespmem:v5+s15+$0x4300], $0xffff;
	[tilespmem:s15+$0xC450] =	vst v8  }
0x18b: {  	[tilespmem:s15+$0xC0D0] =	vst v14;
	v14 =	vld.idx.msk [tilespmem:v5+s15+$0x4380], $0xffff  }
0x18c: {  	[tilespmem:s15+$0xC150] =	vst v9;
	v8 =	vld.idx.msk [tilespmem:v6+s15+$0x4400], $0xffff  }
0x18d: {  	v9 =	vld.idx.msk [tilespmem:v6+s15+$0x4080], $0xffff;
	[tilespmem:s15+$0xC1D0] =	vst v10  }
0x18e: {  	v15 =	vld.idx.msk [tilespmem:v6+s15+$0x4100], $0xffff;
	[tilespmem:s15+$0xC250] =	vst v11  }
0x18f: {  	v11 =	vld.idx.msk [tilespmem:v6+s15+$0x4180], $0xffff;
	[tilespmem:s15+$0xC2D0] =	vst v12  }
0x190: {  	v12 =	vld.idx.msk [tilespmem:v6+s15+$0x4200], $0xffff;
	[tilespmem:s15+$0xC350] =	vst v13  }
0x191: {  	v13 =	vld.idx.msk [tilespmem:v6+s15+$0x4280], $0xffff;
	[tilespmem:s15+$0xC460] =	vst v8  }
0x192: {  	[tilespmem:s15+$0xC3D0] =	vst v14;
	v8 =	vld.idx.msk [tilespmem:v7+s15+$0x4400], $0xffff  }
0x193: {  	v14 =	vld.idx.msk [tilespmem:v6+s15+$0x4300], $0xffff;
	[tilespmem:s15+$0xC0E0] =	vst v9  }
0x194: {  	v16 =	vld.idx.msk [tilespmem:v6+s15+$0x4380], $0xffff;
	[tilespmem:s15+$0xC160] =	vst v15  }
0x195: {  	v10 =	vld.idx.msk [tilespmem:v7+s15+$0x4080], $0xffff;
	[tilespmem:s15+$0xC1E0] =	vst v11  }
0x196: {  	v9 =	vld.idx.msk [tilespmem:v7+s15+$0x4180], $0xffff;
	[tilespmem:s15+$0xC260] =	vst v12  }
0x197: {  	[tilespmem:s15+$0xC470] =	vst v8;
	v8 =	vld.idx.msk [tilespmem:v7+s15+$0x4100], $0xffff  }
0x198: {  	v11 =	vld.idx.msk [tilespmem:v7+s15+$0x4200], $0xffff;
	[tilespmem:s15+$0xC2E0] =	vst v13  }
0x199: {  	v12 =	vld.idx.msk [tilespmem:v7+s15+$0x4280], $0xffff;
	[tilespmem:s15+$0xC360] =	vst v14  }
0x19a: {  	s7 =	simm.s32 $0x0;
	s16 =	simm.s32 $0x1000;
	v13 =	vld.idx.msk [tilespmem:v7+s15+$0x4300], $0xffff;
	[tilespmem:s15+$0xC3E0] =	vst v16  }
.LBB2_15:
0x19b: {  	s0 =	sshra.s32 s16, $0x2;
	s7 =	sadd.s32 $0x8, s7;
	[tilespmem:s15+$0xC0F0] =	vst v10;
	v10 =	vld.idx.msk [tilespmem:v7+s15+$0x4380], $0xffff  }
0x19c: {  	v14 =	vld.idx.msk [tilespmem:v0+s0+$0x4400], $0xffff;
	p2 =	slt.u32 s7, $0x38;
	[tilespmem:s15+$0xC170] =	vst v8  }
0x19d: {  	v8 =	vld.idx.msk [tilespmem:v0+s0+$0x4080], $0xffff;
	[tilespmem:s15+$0xC1F0] =	vst v9  }
0x19e: {  	v9 =	vld.idx.msk [tilespmem:v0+s0+$0x4100], $0xffff;
	[tilespmem:s15+$0xC270] =	vst v11  }
0x19f: {  	v11 =	vld.idx.msk [tilespmem:v0+s0+$0x4180], $0xffff;
	[tilespmem:s15+$0xC2F0] =	vst v12  }
0x1a0: {  	v12 =	vld.idx.msk [tilespmem:v0+s0+$0x4200], $0xffff;
	[tilespmem:s15+$0xC370] =	vst v13  }
0x1a1: {  	v13 =	vld.idx.msk [tilespmem:v0+s0+$0x4280], $0xffff;
	[tilespmem:s15+$0xC3F0] =	vst v10;
	s15 =	smov.u32 s0  }
0x1a2: {  	v10 =	vld.idx.msk [tilespmem:v0+s15+$0x4300], $0xffff;
	[tilespmem:s15+$0xC400] =	vst v14  }
0x1a3: {  	[tilespmem:s15+$0xC080] =	vst v8;
	v8 =	vld.idx.msk [tilespmem:v1+s15+$0x4400], $0xffff  }
0x1a4: {  	[tilespmem:s15+$0xC100] =	vst v9;
	v9 =	vld.idx.msk [tilespmem:v0+s15+$0x4380], $0xffff  }
0x1a5: {  	v14 =	vld.idx.msk [tilespmem:v1+s15+$0x4080], $0xffff;
	[tilespmem:s15+$0xC180] =	vst v11  }
0x1a6: {  	v11 =	vld.idx.msk [tilespmem:v1+s15+$0x4100], $0xffff;
	[tilespmem:s15+$0xC200] =	vst v12  }
0x1a7: {  	v12 =	vld.idx.msk [tilespmem:v1+s15+$0x4180], $0xffff;
	[tilespmem:s15+$0xC280] =	vst v13  }
0x1a8: {  	v13 =	vld.idx.msk [tilespmem:v1+s15+$0x4200], $0xffff;
	[tilespmem:s15+$0xC300] =	vst v10  }
0x1a9: {  	v10 =	vld.idx.msk [tilespmem:v1+s15+$0x4280], $0xffff;
	[tilespmem:s15+$0xC410] =	vst v8  }
0x1aa: {  	[tilespmem:s15+$0xC380] =	vst v9;
	v8 =	vld.idx.msk [tilespmem:v2+s15+$0x4400], $0xffff  }
0x1ab: {  	[tilespmem:s15+$0xC090] =	vst v14;
	v9 =	vld.idx.msk [tilespmem:v1+s15+$0x4300], $0xffff  }
0x1ac: {  	[tilespmem:s15+$0xC110] =	vst v11;
	v11 =	vld.idx.msk [tilespmem:v1+s15+$0x4380], $0xffff  }
0x1ad: {  	v14 =	vld.idx.msk [tilespmem:v2+s15+$0x4080], $0xffff;
	[tilespmem:s15+$0xC190] =	vst v12  }
0x1ae: {  	v12 =	vld.idx.msk [tilespmem:v2+s15+$0x4100], $0xffff;
	[tilespmem:s15+$0xC210] =	vst v13  }
0x1af: {  	v13 =	vld.idx.msk [tilespmem:v2+s15+$0x4180], $0xffff;
	[tilespmem:s15+$0xC290] =	vst v10  }
0x1b0: {  	v10 =	vld.idx.msk [tilespmem:v2+s15+$0x4200], $0xffff;
	[tilespmem:s15+$0xC420] =	vst v8  }
0x1b1: {  	[tilespmem:s15+$0xC310] =	vst v9;
	v8 =	vld.idx.msk [tilespmem:v3+s15+$0x4400], $0xffff  }
0x1b2: {  	v9 =	vld.idx.msk [tilespmem:v2+s15+$0x4280], $0xffff;
	[tilespmem:s15+$0xC390] =	vst v11  }
0x1b3: {  	[tilespmem:s15+$0xC0A0] =	vst v14;
	v11 =	vld.idx.msk [tilespmem:v2+s15+$0x4300], $0xffff  }
0x1b4: {  	[tilespmem:s15+$0xC120] =	vst v12;
	v12 =	vld.idx.msk [tilespmem:v2+s15+$0x4380], $0xffff  }
0x1b5: {  	v14 =	vld.idx.msk [tilespmem:v3+s15+$0x4080], $0xffff;
	[tilespmem:s15+$0xC1A0] =	vst v13  }
0x1b6: {  	v13 =	vld.idx.msk [tilespmem:v3+s15+$0x4100], $0xffff;
	[tilespmem:s15+$0xC220] =	vst v10  }
0x1b7: {  	v10 =	vld.idx.msk [tilespmem:v3+s15+$0x4180], $0xffff;
	[tilespmem:s15+$0xC430] =	vst v8  }
0x1b8: {  	[tilespmem:s15+$0xC2A0] =	vst v9;
	v8 =	vld.idx.msk [tilespmem:v4+s15+$0x4400], $0xffff  }
0x1b9: {  	v9 =	vld.idx.msk [tilespmem:v3+s15+$0x4200], $0xffff;
	[tilespmem:s15+$0xC320] =	vst v11  }
0x1ba: {  	v11 =	vld.idx.msk [tilespmem:v3+s15+$0x4280], $0xffff;
	[tilespmem:s15+$0xC3A0] =	vst v12  }
0x1bb: {  	[tilespmem:s15+$0xC0B0] =	vst v14;
	v12 =	vld.idx.msk [tilespmem:v3+s15+$0x4300], $0xffff  }
0x1bc: {  	[tilespmem:s15+$0xC130] =	vst v13;
	v13 =	vld.idx.msk [tilespmem:v3+s15+$0x4380], $0xffff  }
0x1bd: {  	v14 =	vld.idx.msk [tilespmem:v4+s15+$0x4080], $0xffff;
	[tilespmem:s15+$0xC1B0] =	vst v10  }
0x1be: {  	v10 =	vld.idx.msk [tilespmem:v4+s15+$0x4100], $0xffff;
	[tilespmem:s15+$0xC440] =	vst v8  }
0x1bf: {  	[tilespmem:s15+$0xC230] =	vst v9;
	v8 =	vld.idx.msk [tilespmem:v5+s15+$0x4400], $0xffff  }
0x1c0: {  	v9 =	vld.idx.msk [tilespmem:v4+s15+$0x4180], $0xffff;
	[tilespmem:s15+$0xC2B0] =	vst v11  }
0x1c1: {  	v11 =	vld.idx.msk [tilespmem:v4+s15+$0x4200], $0xffff;
	[tilespmem:s15+$0xC330] =	vst v12  }
0x1c2: {  	v12 =	vld.idx.msk [tilespmem:v4+s15+$0x4280], $0xffff;
	[tilespmem:s15+$0xC3B0] =	vst v13  }
0x1c3: {  	[tilespmem:s15+$0xC0C0] =	vst v14;
	v13 =	vld.idx.msk [tilespmem:v4+s15+$0x4300], $0xffff  }
0x1c4: {  	[tilespmem:s15+$0xC140] =	vst v10;
	v10 =	vld.idx.msk [tilespmem:v4+s15+$0x4380], $0xffff  }
0x1c5: {  	v14 =	vld.idx.msk [tilespmem:v5+s15+$0x4080], $0xffff;
	[tilespmem:s15+$0xC450] =	vst v8  }
0x1c6: {  	[tilespmem:s15+$0xC1C0] =	vst v9;
	v8 =	vld.idx.msk [tilespmem:v6+s15+$0x4400], $0xffff  }
0x1c7: {  	v9 =	vld.idx.msk [tilespmem:v5+s15+$0x4100], $0xffff;
	[tilespmem:s15+$0xC240] =	vst v11  }
0x1c8: {  	v11 =	vld.idx.msk [tilespmem:v5+s15+$0x4180], $0xffff;
	[tilespmem:s15+$0xC2C0] =	vst v12  }
0x1c9: {  	v12 =	vld.idx.msk [tilespmem:v5+s15+$0x4200], $0xffff;
	[tilespmem:s15+$0xC340] =	vst v13  }
0x1ca: {  	v13 =	vld.idx.msk [tilespmem:v5+s15+$0x4280], $0xffff;
	[tilespmem:s15+$0xC3C0] =	vst v10  }
0x1cb: {  	[tilespmem:s15+$0xC0D0] =	vst v14;
	v10 =	vld.idx.msk [tilespmem:v5+s15+$0x4300], $0xffff  }
0x1cc: {  	v14 =	vld.idx.msk [tilespmem:v5+s15+$0x4380], $0xffff;
	[tilespmem:s15+$0xC460] =	vst v8  }
0x1cd: {  	[tilespmem:s15+$0xC150] =	vst v9;
	v8 =	vld.idx.msk [tilespmem:v7+s15+$0x4400], $0xffff  }
0x1ce: {  	v9 =	vld.idx.msk [tilespmem:v6+s15+$0x4080], $0xffff;
	[tilespmem:s15+$0xC1D0] =	vst v11  }
0x1cf: {  	v11 =	vld.idx.msk [tilespmem:v6+s15+$0x4100], $0xffff;
	[tilespmem:s15+$0xC250] =	vst v12  }
0x1d0: {  	v12 =	vld.idx.msk [tilespmem:v6+s15+$0x4180], $0xffff;
	[tilespmem:s15+$0xC2D0] =	vst v13  }
0x1d1: {  	v13 =	vld.idx.msk [tilespmem:v6+s15+$0x4200], $0xffff;
	[tilespmem:s15+$0xC350] =	vst v10  }
0x1d2: {  	v15 =	vld.idx.msk [tilespmem:v6+s15+$0x4280], $0xffff;
	[tilespmem:s15+$0xC3D0] =	vst v14  }
0x1d3: {  	v14 =	vld.idx.msk [tilespmem:v6+s15+$0x4300], $0xffff;
	[tilespmem:s15+$0xC470] =	vst v8  }
0x1d4: {  	[tilespmem:s15+$0xC0E0] =	vst v9;
	v16 =	vld.idx.msk [tilespmem:v6+s15+$0x4380], $0xffff  }
0x1d5: {  	v10 =	vld.idx.msk [tilespmem:v7+s15+$0x4080], $0xffff;
	[tilespmem:s15+$0xC160] =	vst v11  }
.Ltmp8:
0x1d6: {  	v8 =	vld.idx.msk [tilespmem:v7+s15+$0x4100], $0xffff;
	[tilespmem:s15+$0xC1E0] =	vst v12;
	(pc) =	sbr.rel @p2 .LBB2_15-.Ltmp8, $4  }
0x1d7: {  	v9 =	vld.idx.msk [tilespmem:v7+s15+$0x4180], $0xffff;
	[tilespmem:s15+$0xC260] =	vst v13  }
0x1d8: {  	v11 =	vld.idx.msk [tilespmem:v7+s15+$0x4200], $0xffff;
	[tilespmem:s15+$0xC2E0] =	vst v15  }
0x1d9: {  	v12 =	vld.idx.msk [tilespmem:v7+s15+$0x4280], $0xffff;
	[tilespmem:s15+$0xC360] =	vst v14  }
0x1da: {  	s16 =	sadd.s32 $0x1000, s16;
	v13 =	vld.idx.msk [tilespmem:v7+s15+$0x4300], $0xffff;
	[tilespmem:s15+$0xC3E0] =	vst v16  }
0x1db: {  	_ =	sdelay $0x2  }
0x1dc: {  	[tilespmem:s15+$0xC0F0] =	vst v10  }
0x1dd: {  	v63 =	vld.idx.msk [tilespmem:v7+s15+$0x4380], $0xffff;
	[tilespmem:s15+$0xC170] =	vst v8  }
0x1de: {  	[tilespmem:s15+$0xC1F0] =	vst v9  }
.Ltmp9:
0x1df: {  	[tilespmem:s15+$0xC270] =	vst v11;
	(pc) =	sbr.rel @p1 .LBB2_18-.Ltmp9, $4  }
0x1e0: {  	[tilespmem:s15+$0xC2F0] =	vst v12  }
0x1e1: {  	[tilespmem:s15+$0xC370] =	vst v13  }
0x1e2: {  	s0 =	sadd.s32 $0x10000, s10;
	[tilespmem:s15+$0xC3F0] =	vst v63  }
0x1e3: {  	[hbm4b:s0+s5] =	stream.linear.scatter [tilespmem:s29], [sflag:$0x7], $0x2000, $0x38;
	[tilespmem:$0x10080] =	vst v63  }
.Ltmp10:
0x1e4: {  	(pc) =	sbr.rel .LBB2_19-.Ltmp10, $4  }
0x1e5: {  	_ = 	snop  }
0x1e6: {  	_ =	swait.ge [sflag:s30], $0x2000  }
0x1e7: {  	[sflag:s30] =	ssyncset.done $0x0  }
0x1e8: {  	[sflag:s30] =	ssyncadd.s32 $0xFFFFE000  }
.LBB2_18:
0x1e9: {  	s0 =	sadd.s32 s13, s8  }
0x1ea: {  	s0 =	sshrl.u32 s0, $0x3  }
.Ltmp11:
0x1eb: {  	s0 =	sadd.s32 s1, s0;
	(pc) =	sbr.rel @p0 .LBB2_20-.Ltmp11, $4  }
0x1ec: {  	[tilespmem:s19], [sflag:$0x3] =	stream.linear.gather [hbm4b:s0+s5], $0x2000, $0x38;
	[tilespmem:$0x10080] =	vst v63  }
0x1ed: {  	_ =	swait.ge [sflag:s30], $0x2000  }
0x1ee: {  	[sflag:s30] =	ssyncset.done $0x0  }
0x1ef: {  	[sflag:s30] =	ssyncadd.s32 $0xFFFFE000  }
.LBB2_19:
0x1f0: {  	_ =	swait.ge [sflag:s31], $0x2000  }
0x1f1: {  	[sflag:s31] =	ssyncset.done $0x0  }
0x1f2: {  	[sflag:s31] =	ssyncadd.s32 $0xFFFFE000  }
.LBB2_20:
0x1f3: {  	_ =	sdelay $0x2  }
0x1f4: {  	s15 =	simm.s32 $0x0  }
0x1f5: {  	v8 =	vld.idx.msk [tilespmem:v0+s15+$0x6400], $0xffff  }
0x1f6: {  	v9 =	vld.idx.msk [tilespmem:v0+s15+$0x6080], $0xffff  }
0x1f7: {  	v10 =	vld.idx.msk [tilespmem:v0+s15+$0x6100], $0xffff  }
0x1f8: {  	v11 =	vld.idx.msk [tilespmem:v0+s15+$0x6180], $0xffff  }
0x1f9: {  	v12 =	vld.idx.msk [tilespmem:v0+s15+$0x6200], $0xffff  }
0x1fa: {  	v13 =	vld.idx.msk [tilespmem:v0+s15+$0x6280], $0xffff  }
0x1fb: {  	v14 =	vld.idx.msk [tilespmem:v0+s15+$0x6300], $0xffff;
	[tilespmem:s15+$0xE400] =	vst v8  }
0x1fc: {  	[tilespmem:s15+$0xE080] =	vst v9;
	v9 =	vld.idx.msk [tilespmem:v0+s15+$0x6380], $0xffff  }
0x1fd: {  	[tilespmem:s15+$0xE100] =	vst v10;
	v8 =	vld.idx.msk [tilespmem:v1+s15+$0x6400], $0xffff  }
0x1fe: {  	[tilespmem:s15+$0xE180] =	vst v11;
	v10 =	vld.idx.msk [tilespmem:v1+s15+$0x6080], $0xffff  }
0x1ff: {  	[tilespmem:s15+$0xE200] =	vst v12;
	v11 =	vld.idx.msk [tilespmem:v1+s15+$0x6100], $0xffff  }
0x200: {  	[tilespmem:s15+$0xE280] =	vst v13;
	v12 =	vld.idx.msk [tilespmem:v1+s15+$0x6180], $0xffff  }
0x201: {  	[tilespmem:s15+$0xE300] =	vst v14;
	v13 =	vld.idx.msk [tilespmem:v1+s15+$0x6200], $0xffff  }
0x202: {  	v14 =	vld.idx.msk [tilespmem:v1+s15+$0x6280], $0xffff;
	[tilespmem:s15+$0xE380] =	vst v9  }
0x203: {  	v9 =	vld.idx.msk [tilespmem:v1+s15+$0x6300], $0xffff;
	[tilespmem:s15+$0xE410] =	vst v8  }
0x204: {  	[tilespmem:s15+$0xE090] =	vst v10;
	v10 =	vld.idx.msk [tilespmem:v1+s15+$0x6380], $0xffff  }
0x205: {  	[tilespmem:s15+$0xE110] =	vst v11;
	v8 =	vld.idx.msk [tilespmem:v2+s15+$0x6400], $0xffff  }
0x206: {  	[tilespmem:s15+$0xE190] =	vst v12;
	v11 =	vld.idx.msk [tilespmem:v2+s15+$0x6080], $0xffff  }
0x207: {  	[tilespmem:s15+$0xE210] =	vst v13;
	v12 =	vld.idx.msk [tilespmem:v2+s15+$0x6100], $0xffff  }
0x208: {  	[tilespmem:s15+$0xE290] =	vst v14;
	v13 =	vld.idx.msk [tilespmem:v2+s15+$0x6180], $0xffff  }
0x209: {  	v14 =	vld.idx.msk [tilespmem:v2+s15+$0x6200], $0xffff;
	[tilespmem:s15+$0xE310] =	vst v9  }
0x20a: {  	v9 =	vld.idx.msk [tilespmem:v2+s15+$0x6280], $0xffff;
	[tilespmem:s15+$0xE390] =	vst v10  }
0x20b: {  	v10 =	vld.idx.msk [tilespmem:v2+s15+$0x6300], $0xffff;
	[tilespmem:s15+$0xE420] =	vst v8  }
0x20c: {  	[tilespmem:s15+$0xE0A0] =	vst v11;
	v11 =	vld.idx.msk [tilespmem:v2+s15+$0x6380], $0xffff  }
0x20d: {  	[tilespmem:s15+$0xE120] =	vst v12;
	v8 =	vld.idx.msk [tilespmem:v3+s15+$0x6400], $0xffff  }
0x20e: {  	[tilespmem:s15+$0xE1A0] =	vst v13;
	v12 =	vld.idx.msk [tilespmem:v3+s15+$0x6080], $0xffff  }
0x20f: {  	[tilespmem:s15+$0xE220] =	vst v14;
	v13 =	vld.idx.msk [tilespmem:v3+s15+$0x6100], $0xffff  }
0x210: {  	v14 =	vld.idx.msk [tilespmem:v3+s15+$0x6180], $0xffff;
	[tilespmem:s15+$0xE2A0] =	vst v9  }
0x211: {  	v9 =	vld.idx.msk [tilespmem:v3+s15+$0x6200], $0xffff;
	[tilespmem:s15+$0xE320] =	vst v10  }
0x212: {  	v10 =	vld.idx.msk [tilespmem:v3+s15+$0x6280], $0xffff;
	[tilespmem:s15+$0xE3A0] =	vst v11  }
0x213: {  	v11 =	vld.idx.msk [tilespmem:v3+s15+$0x6300], $0xffff;
	[tilespmem:s15+$0xE430] =	vst v8  }
0x214: {  	[tilespmem:s15+$0xE0B0] =	vst v12;
	v12 =	vld.idx.msk [tilespmem:v3+s15+$0x6380], $0xffff  }
0x215: {  	[tilespmem:s15+$0xE130] =	vst v13;
	v8 =	vld.idx.msk [tilespmem:v4+s15+$0x6400], $0xffff  }
0x216: {  	[tilespmem:s15+$0xE1B0] =	vst v14;
	v13 =	vld.idx.msk [tilespmem:v4+s15+$0x6080], $0xffff  }
0x217: {  	v14 =	vld.idx.msk [tilespmem:v4+s15+$0x6100], $0xffff;
	[tilespmem:s15+$0xE230] =	vst v9  }
0x218: {  	v9 =	vld.idx.msk [tilespmem:v4+s15+$0x6180], $0xffff;
	[tilespmem:s15+$0xE2B0] =	vst v10  }
0x219: {  	v10 =	vld.idx.msk [tilespmem:v4+s15+$0x6200], $0xffff;
	[tilespmem:s15+$0xE330] =	vst v11  }
0x21a: {  	v11 =	vld.idx.msk [tilespmem:v4+s15+$0x6280], $0xffff;
	[tilespmem:s15+$0xE3B0] =	vst v12  }
0x21b: {  	v12 =	vld.idx.msk [tilespmem:v4+s15+$0x6300], $0xffff;
	[tilespmem:s15+$0xE440] =	vst v8  }
0x21c: {  	[tilespmem:s15+$0xE0C0] =	vst v13;
	v13 =	vld.idx.msk [tilespmem:v4+s15+$0x6380], $0xffff  }
0x21d: {  	[tilespmem:s15+$0xE140] =	vst v14;
	v8 =	vld.idx.msk [tilespmem:v5+s15+$0x6400], $0xffff  }
0x21e: {  	v14 =	vld.idx.msk [tilespmem:v5+s15+$0x6080], $0xffff;
	[tilespmem:s15+$0xE1C0] =	vst v9  }
0x21f: {  	v9 =	vld.idx.msk [tilespmem:v5+s15+$0x6100], $0xffff;
	[tilespmem:s15+$0xE240] =	vst v10  }
0x220: {  	v10 =	vld.idx.msk [tilespmem:v5+s15+$0x6180], $0xffff;
	[tilespmem:s15+$0xE2C0] =	vst v11  }
0x221: {  	v11 =	vld.idx.msk [tilespmem:v5+s15+$0x6200], $0xffff;
	[tilespmem:s15+$0xE340] =	vst v12  }
0x222: {  	v12 =	vld.idx.msk [tilespmem:v5+s15+$0x6280], $0xffff;
	[tilespmem:s15+$0xE3C0] =	vst v13  }
0x223: {  	v13 =	vld.idx.msk [tilespmem:v5+s15+$0x6300], $0xffff;
	[tilespmem:s15+$0xE450] =	vst v8  }
0x224: {  	[tilespmem:s15+$0xE0D0] =	vst v14;
	v14 =	vld.idx.msk [tilespmem:v5+s15+$0x6380], $0xffff  }
0x225: {  	[tilespmem:s15+$0xE150] =	vst v9;
	v8 =	vld.idx.msk [tilespmem:v6+s15+$0x6400], $0xffff  }
0x226: {  	v9 =	vld.idx.msk [tilespmem:v6+s15+$0x6080], $0xffff;
	[tilespmem:s15+$0xE1D0] =	vst v10  }
0x227: {  	v15 =	vld.idx.msk [tilespmem:v6+s15+$0x6100], $0xffff;
	[tilespmem:s15+$0xE250] =	vst v11  }
0x228: {  	v11 =	vld.idx.msk [tilespmem:v6+s15+$0x6180], $0xffff;
	[tilespmem:s15+$0xE2D0] =	vst v12  }
0x229: {  	v12 =	vld.idx.msk [tilespmem:v6+s15+$0x6200], $0xffff;
	[tilespmem:s15+$0xE350] =	vst v13  }
0x22a: {  	v13 =	vld.idx.msk [tilespmem:v6+s15+$0x6280], $0xffff;
	[tilespmem:s15+$0xE460] =	vst v8  }
0x22b: {  	[tilespmem:s15+$0xE3D0] =	vst v14;
	v8 =	vld.idx.msk [tilespmem:v7+s15+$0x6400], $0xffff  }
0x22c: {  	v14 =	vld.idx.msk [tilespmem:v6+s15+$0x6300], $0xffff;
	[tilespmem:s15+$0xE0E0] =	vst v9  }
0x22d: {  	v16 =	vld.idx.msk [tilespmem:v6+s15+$0x6380], $0xffff;
	[tilespmem:s15+$0xE160] =	vst v15  }
0x22e: {  	v10 =	vld.idx.msk [tilespmem:v7+s15+$0x6080], $0xffff;
	[tilespmem:s15+$0xE1E0] =	vst v11  }
0x22f: {  	v9 =	vld.idx.msk [tilespmem:v7+s15+$0x6180], $0xffff;
	[tilespmem:s15+$0xE260] =	vst v12  }
0x230: {  	[tilespmem:s15+$0xE470] =	vst v8;
	v8 =	vld.idx.msk [tilespmem:v7+s15+$0x6100], $0xffff  }
0x231: {  	v11 =	vld.idx.msk [tilespmem:v7+s15+$0x6200], $0xffff;
	[tilespmem:s15+$0xE2E0] =	vst v13  }
0x232: {  	v12 =	vld.idx.msk [tilespmem:v7+s15+$0x6280], $0xffff;
	[tilespmem:s15+$0xE360] =	vst v14  }
0x233: {  	s7 =	simm.s32 $0x0;
	s16 =	simm.s32 $0x1000;
	v13 =	vld.idx.msk [tilespmem:v7+s15+$0x6300], $0xffff;
	[tilespmem:s15+$0xE3E0] =	vst v16  }
.LBB2_21:
0x234: {  	s0 =	sshra.s32 s16, $0x2;
	s7 =	sadd.s32 $0x8, s7;
	[tilespmem:s15+$0xE0F0] =	vst v10;
	v10 =	vld.idx.msk [tilespmem:v7+s15+$0x6380], $0xffff  }
0x235: {  	v14 =	vld.idx.msk [tilespmem:v0+s0+$0x6400], $0xffff;
	p0 =	slt.u32 s7, $0x38;
	[tilespmem:s15+$0xE170] =	vst v8  }
0x236: {  	v8 =	vld.idx.msk [tilespmem:v0+s0+$0x6080], $0xffff;
	[tilespmem:s15+$0xE1F0] =	vst v9  }
0x237: {  	v9 =	vld.idx.msk [tilespmem:v0+s0+$0x6100], $0xffff;
	[tilespmem:s15+$0xE270] =	vst v11  }
0x238: {  	v11 =	vld.idx.msk [tilespmem:v0+s0+$0x6180], $0xffff;
	[tilespmem:s15+$0xE2F0] =	vst v12  }
0x239: {  	v12 =	vld.idx.msk [tilespmem:v0+s0+$0x6200], $0xffff;
	[tilespmem:s15+$0xE370] =	vst v13  }
0x23a: {  	v13 =	vld.idx.msk [tilespmem:v0+s0+$0x6280], $0xffff;
	[tilespmem:s15+$0xE3F0] =	vst v10;
	s15 =	smov.u32 s0  }
0x23b: {  	v10 =	vld.idx.msk [tilespmem:v0+s15+$0x6300], $0xffff;
	[tilespmem:s15+$0xE400] =	vst v14  }
0x23c: {  	[tilespmem:s15+$0xE080] =	vst v8;
	v8 =	vld.idx.msk [tilespmem:v1+s15+$0x6400], $0xffff  }
0x23d: {  	[tilespmem:s15+$0xE100] =	vst v9;
	v9 =	vld.idx.msk [tilespmem:v0+s15+$0x6380], $0xffff  }
0x23e: {  	v14 =	vld.idx.msk [tilespmem:v1+s15+$0x6080], $0xffff;
	[tilespmem:s15+$0xE180] =	vst v11  }
0x23f: {  	v11 =	vld.idx.msk [tilespmem:v1+s15+$0x6100], $0xffff;
	[tilespmem:s15+$0xE200] =	vst v12  }
0x240: {  	v12 =	vld.idx.msk [tilespmem:v1+s15+$0x6180], $0xffff;
	[tilespmem:s15+$0xE280] =	vst v13  }
0x241: {  	v13 =	vld.idx.msk [tilespmem:v1+s15+$0x6200], $0xffff;
	[tilespmem:s15+$0xE300] =	vst v10  }
0x242: {  	v10 =	vld.idx.msk [tilespmem:v1+s15+$0x6280], $0xffff;
	[tilespmem:s15+$0xE410] =	vst v8  }
0x243: {  	[tilespmem:s15+$0xE380] =	vst v9;
	v8 =	vld.idx.msk [tilespmem:v2+s15+$0x6400], $0xffff  }
0x244: {  	[tilespmem:s15+$0xE090] =	vst v14;
	v9 =	vld.idx.msk [tilespmem:v1+s15+$0x6300], $0xffff  }
0x245: {  	[tilespmem:s15+$0xE110] =	vst v11;
	v11 =	vld.idx.msk [tilespmem:v1+s15+$0x6380], $0xffff  }
0x246: {  	v14 =	vld.idx.msk [tilespmem:v2+s15+$0x6080], $0xffff;
	[tilespmem:s15+$0xE190] =	vst v12  }
0x247: {  	v12 =	vld.idx.msk [tilespmem:v2+s15+$0x6100], $0xffff;
	[tilespmem:s15+$0xE210] =	vst v13  }
0x248: {  	v13 =	vld.idx.msk [tilespmem:v2+s15+$0x6180], $0xffff;
	[tilespmem:s15+$0xE290] =	vst v10  }
0x249: {  	v10 =	vld.idx.msk [tilespmem:v2+s15+$0x6200], $0xffff;
	[tilespmem:s15+$0xE420] =	vst v8  }
0x24a: {  	[tilespmem:s15+$0xE310] =	vst v9;
	v8 =	vld.idx.msk [tilespmem:v3+s15+$0x6400], $0xffff  }
0x24b: {  	v9 =	vld.idx.msk [tilespmem:v2+s15+$0x6280], $0xffff;
	[tilespmem:s15+$0xE390] =	vst v11  }
0x24c: {  	[tilespmem:s15+$0xE0A0] =	vst v14;
	v11 =	vld.idx.msk [tilespmem:v2+s15+$0x6300], $0xffff  }
0x24d: {  	[tilespmem:s15+$0xE120] =	vst v12;
	v12 =	vld.idx.msk [tilespmem:v2+s15+$0x6380], $0xffff  }
0x24e: {  	v14 =	vld.idx.msk [tilespmem:v3+s15+$0x6080], $0xffff;
	[tilespmem:s15+$0xE1A0] =	vst v13  }
0x24f: {  	v13 =	vld.idx.msk [tilespmem:v3+s15+$0x6100], $0xffff;
	[tilespmem:s15+$0xE220] =	vst v10  }
0x250: {  	v10 =	vld.idx.msk [tilespmem:v3+s15+$0x6180], $0xffff;
	[tilespmem:s15+$0xE430] =	vst v8  }
0x251: {  	[tilespmem:s15+$0xE2A0] =	vst v9;
	v8 =	vld.idx.msk [tilespmem:v4+s15+$0x6400], $0xffff  }
0x252: {  	v9 =	vld.idx.msk [tilespmem:v3+s15+$0x6200], $0xffff;
	[tilespmem:s15+$0xE320] =	vst v11  }
0x253: {  	v11 =	vld.idx.msk [tilespmem:v3+s15+$0x6280], $0xffff;
	[tilespmem:s15+$0xE3A0] =	vst v12  }
0x254: {  	[tilespmem:s15+$0xE0B0] =	vst v14;
	v12 =	vld.idx.msk [tilespmem:v3+s15+$0x6300], $0xffff  }
0x255: {  	[tilespmem:s15+$0xE130] =	vst v13;
	v13 =	vld.idx.msk [tilespmem:v3+s15+$0x6380], $0xffff  }
0x256: {  	v14 =	vld.idx.msk [tilespmem:v4+s15+$0x6080], $0xffff;
	[tilespmem:s15+$0xE1B0] =	vst v10  }
0x257: {  	v10 =	vld.idx.msk [tilespmem:v4+s15+$0x6100], $0xffff;
	[tilespmem:s15+$0xE440] =	vst v8  }
0x258: {  	[tilespmem:s15+$0xE230] =	vst v9;
	v8 =	vld.idx.msk [tilespmem:v5+s15+$0x6400], $0xffff  }
0x259: {  	v9 =	vld.idx.msk [tilespmem:v4+s15+$0x6180], $0xffff;
	[tilespmem:s15+$0xE2B0] =	vst v11  }
0x25a: {  	v11 =	vld.idx.msk [tilespmem:v4+s15+$0x6200], $0xffff;
	[tilespmem:s15+$0xE330] =	vst v12  }
0x25b: {  	v12 =	vld.idx.msk [tilespmem:v4+s15+$0x6280], $0xffff;
	[tilespmem:s15+$0xE3B0] =	vst v13  }
0x25c: {  	[tilespmem:s15+$0xE0C0] =	vst v14;
	v13 =	vld.idx.msk [tilespmem:v4+s15+$0x6300], $0xffff  }
0x25d: {  	[tilespmem:s15+$0xE140] =	vst v10;
	v10 =	vld.idx.msk [tilespmem:v4+s15+$0x6380], $0xffff  }
0x25e: {  	v14 =	vld.idx.msk [tilespmem:v5+s15+$0x6080], $0xffff;
	[tilespmem:s15+$0xE450] =	vst v8  }
0x25f: {  	[tilespmem:s15+$0xE1C0] =	vst v9;
	v8 =	vld.idx.msk [tilespmem:v6+s15+$0x6400], $0xffff  }
0x260: {  	v9 =	vld.idx.msk [tilespmem:v5+s15+$0x6100], $0xffff;
	[tilespmem:s15+$0xE240] =	vst v11  }
0x261: {  	v11 =	vld.idx.msk [tilespmem:v5+s15+$0x6180], $0xffff;
	[tilespmem:s15+$0xE2C0] =	vst v12  }
0x262: {  	v12 =	vld.idx.msk [tilespmem:v5+s15+$0x6200], $0xffff;
	[tilespmem:s15+$0xE340] =	vst v13  }
0x263: {  	v13 =	vld.idx.msk [tilespmem:v5+s15+$0x6280], $0xffff;
	[tilespmem:s15+$0xE3C0] =	vst v10  }
0x264: {  	[tilespmem:s15+$0xE0D0] =	vst v14;
	v10 =	vld.idx.msk [tilespmem:v5+s15+$0x6300], $0xffff  }
0x265: {  	v14 =	vld.idx.msk [tilespmem:v5+s15+$0x6380], $0xffff;
	[tilespmem:s15+$0xE460] =	vst v8  }
0x266: {  	[tilespmem:s15+$0xE150] =	vst v9;
	v8 =	vld.idx.msk [tilespmem:v7+s15+$0x6400], $0xffff  }
0x267: {  	v9 =	vld.idx.msk [tilespmem:v6+s15+$0x6080], $0xffff;
	[tilespmem:s15+$0xE1D0] =	vst v11  }
0x268: {  	v11 =	vld.idx.msk [tilespmem:v6+s15+$0x6100], $0xffff;
	[tilespmem:s15+$0xE250] =	vst v12  }
0x269: {  	v12 =	vld.idx.msk [tilespmem:v6+s15+$0x6180], $0xffff;
	[tilespmem:s15+$0xE2D0] =	vst v13  }
0x26a: {  	v13 =	vld.idx.msk [tilespmem:v6+s15+$0x6200], $0xffff;
	[tilespmem:s15+$0xE350] =	vst v10  }
0x26b: {  	v15 =	vld.idx.msk [tilespmem:v6+s15+$0x6280], $0xffff;
	[tilespmem:s15+$0xE3D0] =	vst v14  }
0x26c: {  	v14 =	vld.idx.msk [tilespmem:v6+s15+$0x6300], $0xffff;
	[tilespmem:s15+$0xE470] =	vst v8  }
0x26d: {  	[tilespmem:s15+$0xE0E0] =	vst v9;
	v16 =	vld.idx.msk [tilespmem:v6+s15+$0x6380], $0xffff  }
0x26e: {  	v10 =	vld.idx.msk [tilespmem:v7+s15+$0x6080], $0xffff;
	[tilespmem:s15+$0xE160] =	vst v11  }
.Ltmp12:
0x26f: {  	v8 =	vld.idx.msk [tilespmem:v7+s15+$0x6100], $0xffff;
	[tilespmem:s15+$0xE1E0] =	vst v12;
	(pc) =	sbr.rel @p0 .LBB2_21-.Ltmp12, $4  }
0x270: {  	v9 =	vld.idx.msk [tilespmem:v7+s15+$0x6180], $0xffff;
	[tilespmem:s15+$0xE260] =	vst v13  }
0x271: {  	v11 =	vld.idx.msk [tilespmem:v7+s15+$0x6200], $0xffff;
	[tilespmem:s15+$0xE2E0] =	vst v15  }
0x272: {  	v12 =	vld.idx.msk [tilespmem:v7+s15+$0x6280], $0xffff;
	[tilespmem:s15+$0xE360] =	vst v14  }
0x273: {  	s16 =	sadd.s32 $0x1000, s16;
	v13 =	vld.idx.msk [tilespmem:v7+s15+$0x6300], $0xffff;
	[tilespmem:s15+$0xE3E0] =	vst v16  }
0x274: {  	_ =	sdelay $0x2  }
0x275: {  	[tilespmem:s15+$0xE0F0] =	vst v10  }
0x276: {  	v63 =	vld.idx.msk [tilespmem:v7+s15+$0x6380], $0xffff;
	[tilespmem:s15+$0xE170] =	vst v8  }
0x277: {  	[tilespmem:s15+$0xE1F0] =	vst v9  }
0x278: {  	[tilespmem:s15+$0xE270] =	vst v11  }
0x279: {  	[tilespmem:s15+$0xE2F0] =	vst v12  }
0x27a: {  	[tilespmem:s15+$0xE370] =	vst v13  }
0x27b: {  	p0 =	seq.s32 s20, $0x1F;
	s0 =	sadd.s32 $0x18000, s10;
	[tilespmem:s15+$0xE3F0] =	vst v63  }
0x27c: {  	[hbm4b:s0+s5] =	stream.linear.scatter [tilespmem:s2], [sflag:$0x8], $0x2000, $0x38;
	[tilespmem:$0x10080] =	vst v63  }
0x27d: {  	s0 =	sadd.s32 @!p0 s14, s8  }
0x27e: {  	s7 =	simm.s32 @!p0 $0x0;
	s0 =	sshrl.u32 @!p0 s0, $0x3  }
0x27f: {  	p1 =	sne.s32 @!p0 s9, $0x20;
	s8 =	simm.s32 @!p0 $0x6080;
	s0 =	sadd.s32 @!p0 s1, s0  }
0x280: {  	[tilespmem:s8], [sflag:$0x4] =	stream.linear.gather @!p0 [hbm4b:s0+s7], $0x2000, $0x38;
	[tilespmem:$0x10080] =	vst v63  }
0x281: {  	p0 =	por p0, !p1  }
.Ltmp13:
0x282: {  	_ = 	snop;
	(pc) =	sbr.rel @!p0 .LBB2_2-.Ltmp13, $2  }
0x283: {  	_ =	sdelay $0x2  }
0x284: {  	s20 =	smov.u32 s9  }
0x285: {  	s0 =	simm.s32 $0x5  }
0x286: {  	_ =	swait.ge [sflag:s0], $0x2000  }
0x287: {  	[sflag:s0] =	ssyncset.done $0x0  }
0x288: {  	[sflag:s0] =	ssyncadd.s32 $0xFFFFE000  }
0x289: {  	_ =	swait.ge [sflag:s24], $0x2000  }
0x28a: {  	[sflag:s24] =	ssyncset.done $0x0  }
0x28b: {  	[sflag:s24] =	ssyncadd.s32 $0xFFFFE000  }
0x28c: {  	_ =	swait.ge [sflag:s28], $0x2000  }
0x28d: {  	[sflag:s28] =	ssyncset.done $0x0  }
0x28e: {  	[sflag:s28] =	ssyncadd.s32 $0xFFFFE000  }
0x28f: {  	_ =	swait.ge [sflag:s31], $0x2000  }
0x290: {  	s3 =	sadd.s32 $0x1, s3;
	s20 =	rddreg [dreg:$0x8]  }
0x291: {  	p0 =	sne.s32 s3, s20  }
.Ltmp14:
0x292: {  	_ = 	snop;
	(pc) =	sbr.rel @p0 .LBB2_1-.Ltmp14, $3  }
0x293: {  	_ =	sdelay $0x1  }
0x294: {  	[sflag:s31] =	ssyncset.done $0x0  }
0x295: {  	[sflag:s31] =	ssyncadd.s32 $0xFFFFE000  }
0x296: {  	_ =	sfence.sel $0x180000  }
0x297: {  	[bflag:$0x0] =	sbarrier.arrive $0xFFFF  }
0x298: {  	_ =	strace $0x90000047  }
0x299: {  	s0 =	stileid.u32;
	[bflag:$0x2] =	sbarrier.arrive $0xFFFF  }
0x29a: {  	p0 =	sne.s32 s0, $0x0;
	s0 =	rddreg [dreg:$0x3]  }
0x29b: {  	s0 =	sadd.s32 @!p0 $0x100000, s0  }
0x29c: {  	[sflag:s0] =	ssyncadd.tile.s32 @!p0 $0x1;
	_ =	shalt  }
.Lfunc_end2:
_tile_overlayer_lowered:
.L_overlay_start_2:
0x29d: {  	(tag) =	ssettag $0x2  }
0x29e: {  	s0 =	rddreg [dreg:$0x0];
	s2 =	stileid.u32  }
0x29f: {  	s1 =	rddreg [dreg:$0x1];
	p0 =	sne.s32 s2, $0x0  }
0x2a0: {  	s3 =	rddreg [dreg:$0x2];
	[bflag:$0x3] =	sbarrier.arrive $0xFFFF;
	s2 =	simm.s32 @!p0 $0x1C09  }
0x2a1: {  	[timem:s3], [sflag:s2] =	dma.local @!p0 [hbm:s0], s1  }
0x2a2: {  	s0 =	simm.s32 @!p0 $0x9  }
0x2a3: {  	_ =	swait.ge @!p0 [sflag:s0], s1  }
0x2a4: {  	s1 =	ssub.s32 @!p0 $0x0, s1;
	[sflag:s0] =	ssyncset.done @!p0 $0x0  }
0x2a5: {  	[sflag:s0] =	ssyncadd.s32 @!p0 s1  }
0x2a6: {  	[bflag:$0x3] =	sbarrier.arrive $0xFFFF  }
0x2a7: {  	_ =	shalt  }

</sc_bundles>
